<compile_context>
chip_gen: v7x
topology: tpu7x:2x2x1
jax: 0.10.2.dev20260603
libtpu: 0.0.44.dev20260713+nightly
codegen_flags: <defaults>
</compile_context>

<pallas_src>
import functools

import jax
import jax.numpy as jnp
from jax import lax
from jax.experimental import pallas as pl
from jax.experimental.pallas import tpu as pltpu
from jax.experimental.pallas import tpu_sc as plsc

N_NODES = 10000
N_EDGES = 320000
D_FEAT = 128
D_EDGE = 16

NC = 2
NS = 16
NW = NC * NS
EB = 64
NBLK = N_EDGES // EB
BLK_PER_W = NBLK // NW
BLK_EXTRA = NBLK - BLK_PER_W * NW
MAXB = BLK_PER_W + 1
RPT = 624
RPT_LAST = N_NODES - (NS - 1) * RPT


def _node_tables_body(feat_ref, w_ref, p1_ref, p2_ref):
    f = feat_ref[...]
    p1_ref[...] = jnp.dot(f, w_ref[0:D_FEAT, :], preferred_element_type=jnp.float32)
    p2_ref[...] = jnp.dot(f, w_ref[D_FEAT:2 * D_FEAT, :], preferred_element_type=jnp.float32)


def _node_tables(feat, W):
    return pl.pallas_call(
        _node_tables_body,
        out_shape=(
            jax.ShapeDtypeStruct((N_NODES, D_FEAT), jnp.float32),
            jax.ShapeDtypeStruct((N_NODES, D_FEAT), jnp.float32),
        ),
    )(feat, W)


_CEB = 8000


def _edge_c_body(ea_ref, w_ref, b_ref, c_ref):
    c_ref[...] = (
        jnp.dot(ea_ref[...], w_ref[2 * D_FEAT:, :], preferred_element_type=jnp.float32)
        + b_ref[...]
    )


def _edge_c(edge_attr, W, b2d):
    n_steps = N_EDGES // _CEB
    return pl.pallas_call(
        _edge_c_body,
        grid=(n_steps,),
        in_specs=[
            pl.BlockSpec((_CEB, D_EDGE), lambda i: (i, 0)),
            pl.BlockSpec((2 * D_FEAT + D_EDGE, D_FEAT), lambda i: (0, 0)),
            pl.BlockSpec((1, D_FEAT), lambda i: (0, 0)),
        ],
        out_specs=pl.BlockSpec((_CEB, D_FEAT), lambda i: (i, 0)),
        out_shape=jax.ShapeDtypeStruct((N_EDGES, D_FEAT), jnp.float32),
    )(edge_attr, W, b2d)


def _sc_edge_body(p1_hbm, p2_hbm, c_hbm, src_hbm, dst_hbm, zeros_hbm, out_hbm,
                  sidx0, sidx1, didx0, didx1, p1v0, p1v1, p2v0, p2v1,
                  cv0, cv1, acc, g1a, g1b, g2a, g2b, g3a, g3b, isa, isb):
    sidx = (sidx0, sidx1)
    didx = (didx0, didx1)
    p1v = (p1v0, p1v1)
    p2v = (p2v0, p2v1)
    cv = (cv0, cv1)
    g1 = (g1a, g1b)
    g2 = (g2a, g2b)
    g3 = (g3a, g3b)
    isem = (isa, isb)
    cid = lax.axis_index("c")
    sid = lax.axis_index("s")
    wid = cid * NS + sid

    r0 = sid * RPT
    pltpu.sync_copy(zeros_hbm.at[pl.ds(0, RPT)], acc.at[pl.ds(r0, RPT)])

    @pl.when(sid == NS - 1)
    def _zero_tail():
        pltpu.sync_copy(
            zeros_hbm.at[pl.ds(0, RPT_LAST - RPT)],
            acc.at[pl.ds((NS - 1) * RPT + RPT, RPT_LAST - RPT)],
        )

    nblk = jnp.where(wid < BLK_EXTRA, BLK_PER_W + 1, BLK_PER_W)
    bstart = wid * BLK_PER_W + jnp.minimum(wid, BLK_EXTRA)

    def issue_idx(i, b):
        e0 = (bstart + i) * EB
        pltpu.async_copy(src_hbm.at[pl.ds(e0, EB)], sidx[b], isem[b])
        pltpu.async_copy(dst_hbm.at[pl.ds(e0, EB)], didx[b], isem[b])

    def wait_idx(i, b):
        e0 = (bstart + i) * EB
        pltpu.make_async_copy(src_hbm.at[pl.ds(e0, EB)], sidx[b], isem[b]).wait()
        pltpu.make_async_copy(dst_hbm.at[pl.ds(e0, EB)], didx[b], isem[b]).wait()

    def issue_gathers(i, b):
        e0 = (bstart + i) * EB
        pltpu.async_copy(p1_hbm.at[sidx[b]], p1v[b], g1[b])
        pltpu.async_copy(p2_hbm.at[didx[b]], p2v[b], g2[b])
        pltpu.async_copy(c_hbm.at[pl.ds(e0, EB)], cv[b], g3[b])

    def wait_gathers(i, b):
        e0 = (bstart + i) * EB
        pltpu.make_async_copy(p1_hbm.at[sidx[b]], p1v[b], g1[b]).wait()
        pltpu.make_async_copy(p2_hbm.at[didx[b]], p2v[b], g2[b]).wait()
        pltpu.make_async_copy(c_hbm.at[pl.ds(e0, EB)], cv[b], g3[b]).wait()

    e00 = bstart * EB
    pltpu.sync_copy(src_hbm.at[pl.ds(e00, EB)], sidx[0])
    pltpu.sync_copy(dst_hbm.at[pl.ds(e00, EB)], didx[0])
    issue_gathers(0, 0)
    issue_idx(1, 1)

    def pair_body(j, carry):
        for b in (0, 1):
            blk = 2 * j + b
            nb = 1 - b

            @pl.when(blk < nblk)
            def _live():
                wait_gathers(blk, b)

                @pl.when(blk + 1 < nblk)
                def _prefetch():
                    wait_idx(blk + 1, nb)
                    issue_gathers(blk + 1, nb)

                pltpu.sync_copy(p1v[b], acc.at[didx[b]], add=True)

                @pl.when(blk + 2 < nblk)
                def _next_idx():
                    issue_idx(blk + 2, b)

        return carry

    lax.fori_loop(0, (MAXB + 1) // 2, pair_body, 0)

    plsc.subcore_barrier()
    pltpu.sync_copy(
        acc.at[pl.ds(r0, RPT)],
        out_hbm.at[pl.ds(cid * N_NODES + r0, RPT)],
    )

    @pl.when(sid == NS - 1)
    def _write_tail():
        t0 = (NS - 1) * RPT + RPT
        pltpu.sync_copy(
            acc.at[pl.ds(t0, RPT_LAST - RPT)],
            out_hbm.at[pl.ds(cid * N_NODES + t0, RPT_LAST - RPT)],
        )


def _sc_edge(p1, p2, c, src, dst, zeros):
    mesh = plsc.VectorSubcoreMesh(core_axis_name="c", subcore_axis_name="s")
    k = functools.partial(
        pl.kernel,
        out_type=jax.ShapeDtypeStruct((NC * N_NODES, D_FEAT), jnp.float32),
        mesh=mesh,
        scratch_types=[
            pltpu.VMEM((EB,), jnp.int32),
            pltpu.VMEM((EB,), jnp.int32),
            pltpu.VMEM((EB,), jnp.int32),
            pltpu.VMEM((EB,), jnp.int32),
            pltpu.VMEM((EB, D_FEAT), jnp.float32),
            pltpu.VMEM((EB, D_FEAT), jnp.float32),
            pltpu.VMEM((EB, D_FEAT), jnp.float32),
            pltpu.VMEM((EB, D_FEAT), jnp.float32),
            pltpu.VMEM((EB, D_FEAT), jnp.float32),
            pltpu.VMEM((EB, D_FEAT), jnp.float32),
            pltpu.VMEM_SHARED((N_NODES, D_FEAT), jnp.float32),
            pltpu.SemaphoreType.DMA,
            pltpu.SemaphoreType.DMA,
            pltpu.SemaphoreType.DMA,
            pltpu.SemaphoreType.DMA,
            pltpu.SemaphoreType.DMA,
            pltpu.SemaphoreType.DMA,
            pltpu.SemaphoreType.DMA,
            pltpu.SemaphoreType.DMA,
        ],
    )(_sc_edge_body)
    return k(p1, p2, c, src, dst, zeros)


_AB = 80


def _add_body(a_ref, b_ref, o_ref):
    o_ref[...] = a_ref[...] + b_ref[...]


def _final_add(part):
    n_steps = N_NODES // _AB
    return pl.pallas_call(
        _add_body,
        grid=(n_steps,),
        in_specs=[
            pl.BlockSpec((_AB, D_FEAT), lambda i: (i, 0)),
            pl.BlockSpec((_AB, D_FEAT), lambda i: (i + N_NODES // _AB, 0)),
        ],
        out_specs=pl.BlockSpec((_AB, D_FEAT), lambda i: (i, 0)),
        out_shape=jax.ShapeDtypeStruct((N_NODES, D_FEAT), jnp.float32),
    )(part, part)


def kernel(feat, edge_index, edge_attr, W, b):
    src = edge_index[0].astype(jnp.int32)
    dst = edge_index[1].astype(jnp.int32)
    p1, p2 = _node_tables(feat, W)
    c = _edge_c(edge_attr, W, b.reshape(1, D_FEAT))
    zeros = jnp.zeros((RPT, D_FEAT), jnp.float32)
    part = _sc_edge(p1, p2, c, src, dst, zeros)
    return _final_add(part)

# --- scband reference (transcript-rebuilt; emitter-appended) ---
"""Pipeline reference for scband-cg-8624294330573 (READ-ONLY COPY).

The authoritative reference and input builder live on the scoring server;
editing this copy changes nothing except your own understanding.
"""

import jax, jax.numpy as jnp
import numpy as np

N_NODES = 10000
N_EDGES = 320000
D_FEAT = 128
D_EDGE = 16

def setup_inputs(seed: int = 0) -> dict:
    key = jax.random.key(seed)
    k1, k2, k3, k4, k5 = jax.random.split(key, 5)
    feat = jax.random.normal(k1, (N_NODES, D_FEAT), dtype=jnp.float32)
    edge_index = jax.random.randint(k2, (2, N_EDGES), 0, N_NODES, dtype=jnp.int64)
    edge_attr = jax.random.normal(k3, (N_EDGES, D_EDGE), dtype=jnp.float32)
    fan_in = 2 * D_FEAT + D_EDGE
    bound = 1.0 / np.sqrt(fan_in)
    W = jax.random.uniform(k4, (fan_in, D_FEAT), minval=-bound, maxval=bound, dtype=jnp.float32)
    b = jax.random.uniform(k5, (D_FEAT,), minval=-bound, maxval=bound, dtype=jnp.float32)
    return {"feat": feat, "edge_index": edge_index, "edge_attr": edge_attr, "W": W, "b": b}

def reference(feat, edge_index, edge_attr, W, b):
    # DGL update_all: message over edges, sum-reduce onto dst nodes.
    src = edge_index[0]
    dst = edge_index[1]
    h_src = jnp.take(feat, src, axis=0)   # edges.src['v']
    h_dst = jnp.take(feat, dst, axis=0)   # edges.dst['v']
    z = jnp.concatenate([h_src, h_dst, edge_attr], axis=-1)
    z = z @ W + b
    sig_z = jax.nn.sigmoid(z)
    softplus_z = jnp.where(z >= 0, z, 0.01 * z)  # LeakyReLU default negative_slope=0.01
    msg = sig_z * softplus_z
    out = jax.ops.segment_sum(msg, dst, num_segments=feat.shape[0])
    return out

if __name__ == "__main__":
    import jax
    _d = setup_inputs()
    print(jax.jit(kernel)(*tuple(_d.values())))

</pallas_src>

<mosaic_0001>
#map = affine_map<(d0, d1) -> (0, 0)>
#map1 = affine_map<(d0, d1) -> (0)>
module attributes {stable_mosaic.version = 14 : i64} {
  func.func @_sc_edge_body(%arg0: i32, %arg1: i32, %arg2: memref<10000x128xf32, #tpu.memory_space<hbm>>, %arg3: memref<10000x128xf32, #tpu.memory_space<hbm>>, %arg4: memref<320000x128xf32, #tpu.memory_space<hbm>>, %arg5: memref<320000xi32, #tpu.memory_space<hbm>>, %arg6: memref<320000xi32, #tpu.memory_space<hbm>>, %arg7: memref<624x128xf32, #tpu.memory_space<hbm>>, %arg8: memref<20000x128xf32, #tpu.memory_space<hbm>>, %arg9: memref<64xi32, #tpu.memory_space<vmem>>, %arg10: memref<64xi32, #tpu.memory_space<vmem>>, %arg11: memref<64xi32, #tpu.memory_space<vmem>>, %arg12: memref<64xi32, #tpu.memory_space<vmem>>, %arg13: memref<64x128xf32, #tpu.memory_space<vmem>>, %arg14: memref<64x128xf32, #tpu.memory_space<vmem>>, %arg15: memref<64x128xf32, #tpu.memory_space<vmem>>, %arg16: memref<64x128xf32, #tpu.memory_space<vmem>>, %arg17: memref<64x128xf32, #tpu.memory_space<vmem>>, %arg18: memref<64x128xf32, #tpu.memory_space<vmem>>, %arg19: memref<10000x128xf32, #tpu.memory_space<vmem_shared>>, %arg20: memref<!tpu.dma_semaphore, #tpu.memory_space<semaphore_mem>>, %arg21: memref<!tpu.dma_semaphore, #tpu.memory_space<semaphore_mem>>, %arg22: memref<!tpu.dma_semaphore, #tpu.memory_space<semaphore_mem>>, %arg23: memref<!tpu.dma_semaphore, #tpu.memory_space<semaphore_mem>>, %arg24: memref<!tpu.dma_semaphore, #tpu.memory_space<semaphore_mem>>, %arg25: memref<!tpu.dma_semaphore, #tpu.memory_space<semaphore_mem>>, %arg26: memref<!tpu.dma_semaphore, #tpu.memory_space<semaphore_mem>>, %arg27: memref<!tpu.dma_semaphore, #tpu.memory_space<semaphore_mem>>) attributes {dimension_semantics = [#tpu.dimension_semantics<core_parallel>, #tpu.dimension_semantics<subcore_parallel>], iteration_bounds = array<i64: 2, 16>, scalar_prefetch = 0 : i64, scratch_operands = 19 : i64, tpu.core_type = #tpu.core_type<sc_vector_subcore>, window_params = [{transform_indices = #map}, {transform_indices = #map}, {transform_indices = #map}, {transform_indices = #map1}, {transform_indices = #map1}, {transform_indices = #map}, {transform_indices = #map}]} {
    %mul3A = arith.constant 16 : i32
    %mul3A_0 = arith.muli %arg0, %mul3A : i32
    %add3A = arith.addi %mul3A_0, %arg1 : i32
    %mul3A_1 = arith.constant 624 : i32
    %mul3A_2 = arith.muli %arg1, %mul3A_1 : i32
    "tpu.region"() ({
      %run_scoped3A = tpu.sem_alloc : memref<!tpu.dma_semaphore, #tpu.memory_space<semaphore_mem>>
      %dma_start3A_47 = arith.constant 0 : i32
      %dma_start3A_48 = tpu.memref_slice %arg19[%mul3A_2, %dma_start3A_47] : memref<10000x128xf32, #tpu.memory_space<vmem_shared>> -> memref<624x128xf32, #tpu.memory_space<vmem_shared>>
      %dma_start3A_49 = arith.constant 0 : i32
      %dma_start3A_50 = arith.constant 0 : i32
      %dma_start3A_51 = tpu.memref_slice %arg7[%dma_start3A_49, %dma_start3A_50] : memref<624x128xf32, #tpu.memory_space<hbm>> -> memref<624x128xf32, #tpu.memory_space<hbm>>
      tpu.enqueue_dma source(%dma_start3A_51 : memref<624x128xf32, #tpu.memory_space<hbm>>) target(%dma_start3A_48 : memref<624x128xf32, #tpu.memory_space<vmem_shared>>) target_semaphore(%run_scoped3A : memref<!tpu.dma_semaphore, #tpu.memory_space<semaphore_mem>>)
      %dma_wait3A = arith.constant 0 : i32
      %dma_wait3A_52 = tpu.memref_slice %arg19[%mul3A_2, %dma_wait3A] : memref<10000x128xf32, #tpu.memory_space<vmem_shared>> -> memref<624x128xf32, #tpu.memory_space<vmem_shared>>
      %dma_wait3A_53 = arith.constant 0 : i32
      %dma_wait3A_54 = arith.constant 0 : i32
      %dma_wait3A_55 = tpu.memref_slice %arg7[%dma_wait3A_53, %dma_wait3A_54] : memref<624x128xf32, #tpu.memory_space<hbm>> -> memref<624x128xf32, #tpu.memory_space<hbm>>
      tpu.wait_dma2 semaphore(%run_scoped3A : memref<!tpu.dma_semaphore, #tpu.memory_space<semaphore_mem>>) src(%dma_wait3A_55 : memref<624x128xf32, #tpu.memory_space<hbm>>) dst(%dma_wait3A_52 : memref<624x128xf32, #tpu.memory_space<vmem_shared>>)
      tpu.yield
    }) : () -> ()
    %eq3A = arith.constant 15 : i32
    %eq3A_3 = arith.cmpi eq, %arg1, %eq3A : i32
    %convert_element_type3A = arith.extui %eq3A_3 : i1 to i32
    %cond3A = arith.constant 0 : i32
    %cond3A_4 = arith.cmpi ne, %convert_element_type3A, %cond3A : i32
    scf.if %cond3A_4 {
      "tpu.region"() ({
        %run_scoped3A = tpu.sem_alloc : memref<!tpu.dma_semaphore, #tpu.memory_space<semaphore_mem>>
        %dma_start3A_47 = arith.constant 9984 : i32
        %dma_start3A_48 = arith.constant 0 : i32
        %dma_start3A_49 = tpu.memref_slice %arg19[%dma_start3A_47, %dma_start3A_48] : memref<10000x128xf32, #tpu.memory_space<vmem_shared>> -> memref<16x128xf32, #tpu.memory_space<vmem_shared>>
        %dma_start3A_50 = arith.constant 0 : i32
        %dma_start3A_51 = arith.constant 0 : i32
        %dma_start3A_52 = tpu.memref_slice %arg7[%dma_start3A_50, %dma_start3A_51] : memref<624x128xf32, #tpu.memory_space<hbm>> -> memref<16x128xf32, #tpu.memory_space<hbm>>
        tpu.enqueue_dma source(%dma_start3A_52 : memref<16x128xf32, #tpu.memory_space<hbm>>) target(%dma_start3A_49 : memref<16x128xf32, #tpu.memory_space<vmem_shared>>) target_semaphore(%run_scoped3A : memref<!tpu.dma_semaphore, #tpu.memory_space<semaphore_mem>>)
        %dma_wait3A = arith.constant 9984 : i32
        %dma_wait3A_53 = arith.constant 0 : i32
        %dma_wait3A_54 = tpu.memref_slice %arg19[%dma_wait3A, %dma_wait3A_53] : memref<10000x128xf32, #tpu.memory_space<vmem_shared>> -> memref<16x128xf32, #tpu.memory_space<vmem_shared>>
        %dma_wait3A_55 = arith.constant 0 : i32
        %dma_wait3A_56 = arith.constant 0 : i32
        %dma_wait3A_57 = tpu.memref_slice %arg7[%dma_wait3A_55, %dma_wait3A_56] : memref<624x128xf32, #tpu.memory_space<hbm>> -> memref<16x128xf32, #tpu.memory_space<hbm>>
        tpu.wait_dma2 semaphore(%run_scoped3A : memref<!tpu.dma_semaphore, #tpu.memory_space<semaphore_mem>>) src(%dma_wait3A_57 : memref<16x128xf32, #tpu.memory_space<hbm>>) dst(%dma_wait3A_54 : memref<16x128xf32, #tpu.memory_space<vmem_shared>>)
        tpu.yield
      }) : () -> ()
    } else {
    }
    %lt3A = arith.constant 8 : i32
    %lt3A_5 = arith.cmpi slt, %add3A, %lt3A : i32
    %jit3A = arith.constant 157 : i32
    %jit3A_6 = arith.constant 156 : i32
    %select_n3A = arith.select %lt3A_5, %jit3A, %jit3A_6 : i32
    %mul3A_7 = arith.constant 156 : i32
    %mul3A_8 = arith.muli %add3A, %mul3A_7 : i32
    %min3A = arith.constant 8 : i32
    %min3A_9 = arith.minsi %add3A, %min3A : i32
    %add3A_10 = arith.addi %mul3A_8, %min3A_9 : i32
    %mul3A_11 = arith.constant 64 : i32
    %mul3A_12 = arith.muli %add3A_10, %mul3A_11 : i32
    "tpu.region"() ({
      %run_scoped3A = tpu.sem_alloc : memref<!tpu.dma_semaphore, #tpu.memory_space<semaphore_mem>>
      %dma_start3A_47 = tpu.memref_slice %arg5[%mul3A_12] : memref<320000xi32, #tpu.memory_space<hbm>> -> memref<64xi32, #tpu.memory_space<hbm>>
      %dma_start3A_48 = tpu.memref_slice %arg5[%mul3A_12] : memref<320000xi32, #tpu.memory_space<hbm>> -> memref<64xi32, #tpu.memory_space<hbm>>
      tpu.enqueue_dma source(%dma_start3A_48 : memref<64xi32, #tpu.memory_space<hbm>>) target(%arg9 : memref<64xi32, #tpu.memory_space<vmem>>) target_semaphore(%run_scoped3A : memref<!tpu.dma_semaphore, #tpu.memory_space<semaphore_mem>>)
      %dma_wait3A = tpu.memref_slice %arg5[%mul3A_12] : memref<320000xi32, #tpu.memory_space<hbm>> -> memref<64xi32, #tpu.memory_space<hbm>>
      %dma_wait3A_49 = tpu.memref_slice %arg5[%mul3A_12] : memref<320000xi32, #tpu.memory_space<hbm>> -> memref<64xi32, #tpu.memory_space<hbm>>
      tpu.wait_dma2 semaphore(%run_scoped3A : memref<!tpu.dma_semaphore, #tpu.memory_space<semaphore_mem>>) src(%dma_wait3A_49 : memref<64xi32, #tpu.memory_space<hbm>>) dst(%arg9 : memref<64xi32, #tpu.memory_space<vmem>>)
      tpu.yield
    }) : () -> ()
    "tpu.region"() ({
      %run_scoped3A = tpu.sem_alloc : memref<!tpu.dma_semaphore, #tpu.memory_space<semaphore_mem>>
      %dma_start3A_47 = tpu.memref_slice %arg6[%mul3A_12] : memref<320000xi32, #tpu.memory_space<hbm>> -> memref<64xi32, #tpu.memory_space<hbm>>
      %dma_start3A_48 = tpu.memref_slice %arg6[%mul3A_12] : memref<320000xi32, #tpu.memory_space<hbm>> -> memref<64xi32, #tpu.memory_space<hbm>>
      tpu.enqueue_dma source(%dma_start3A_48 : memref<64xi32, #tpu.memory_space<hbm>>) target(%arg11 : memref<64xi32, #tpu.memory_space<vmem>>) target_semaphore(%run_scoped3A : memref<!tpu.dma_semaphore, #tpu.memory_space<semaphore_mem>>)
      %dma_wait3A = tpu.memref_slice %arg6[%mul3A_12] : memref<320000xi32, #tpu.memory_space<hbm>> -> memref<64xi32, #tpu.memory_space<hbm>>
      %dma_wait3A_49 = tpu.memref_slice %arg6[%mul3A_12] : memref<320000xi32, #tpu.memory_space<hbm>> -> memref<64xi32, #tpu.memory_space<hbm>>
      tpu.wait_dma2 semaphore(%run_scoped3A : memref<!tpu.dma_semaphore, #tpu.memory_space<semaphore_mem>>) src(%dma_wait3A_49 : memref<64xi32, #tpu.memory_space<hbm>>) dst(%arg11 : memref<64xi32, #tpu.memory_space<vmem>>)
      tpu.yield
    }) : () -> ()
    %add3A_13 = arith.constant 0 : i32
    %add3A_14 = arith.addi %add3A_10, %add3A_13 : i32
    %mul3A_15 = arith.constant 64 : i32
    %mul3A_16 = arith.muli %add3A_14, %mul3A_15 : i32
    %dma_start3A = arith.constant 0 : i32
    %dma_start3A_17 = arith.constant 0 : i32
    %dma_start3A_18 = tpu.memref_slice %arg2[%dma_start3A, %dma_start3A_17] : memref<10000x128xf32, #tpu.memory_space<hbm>> -> memref<10000x128xf32, #tpu.memory_space<hbm>>
    tpu.enqueue_indirect_dma source(%dma_start3A_18 : memref<10000x128xf32, #tpu.memory_space<hbm>>) target(%arg13 : memref<64x128xf32, #tpu.memory_space<vmem>>) offsets(%arg9 : memref<64xi32, #tpu.memory_space<vmem>>) semaphore(%arg20 : memref<!tpu.dma_semaphore, #tpu.memory_space<semaphore_mem>>)
    %dma_start3A_19 = arith.constant 0 : i32
    %dma_start3A_20 = arith.constant 0 : i32
    %dma_start3A_21 = tpu.memref_slice %arg3[%dma_start3A_19, %dma_start3A_20] : memref<10000x128xf32, #tpu.memory_space<hbm>> -> memref<10000x128xf32, #tpu.memory_space<hbm>>
    tpu.enqueue_indirect_dma source(%dma_start3A_21 : memref<10000x128xf32, #tpu.memory_space<hbm>>) target(%arg15 : memref<64x128xf32, #tpu.memory_space<vmem>>) offsets(%arg11 : memref<64xi32, #tpu.memory_space<vmem>>) semaphore(%arg22 : memref<!tpu.dma_semaphore, #tpu.memory_space<semaphore_mem>>)
    %dma_start3A_22 = arith.constant 0 : i32
    %dma_start3A_23 = tpu.memref_slice %arg4[%mul3A_16, %dma_start3A_22] : memref<320000x128xf32, #tpu.memory_space<hbm>> -> memref<64x128xf32, #tpu.memory_space<hbm>>
    %dma_start3A_24 = arith.constant 0 : i32
    %dma_start3A_25 = tpu.memref_slice %arg4[%mul3A_16, %dma_start3A_24] : memref<320000x128xf32, #tpu.memory_space<hbm>> -> memref<64x128xf32, #tpu.memory_space<hbm>>
    tpu.enqueue_dma source(%dma_start3A_25 : memref<64x128xf32, #tpu.memory_space<hbm>>) target(%arg17 : memref<64x128xf32, #tpu.memory_space<vmem>>) target_semaphore(%arg24 : memref<!tpu.dma_semaphore, #tpu.memory_space<semaphore_mem>>)
    %add3A_26 = arith.constant 1 : i32
    %add3A_27 = arith.addi %add3A_10, %add3A_26 : i32
    %mul3A_28 = arith.constant 64 : i32
    %mul3A_29 = arith.muli %add3A_27, %mul3A_28 : i32
    %dma_start3A_30 = tpu.memref_slice %arg5[%mul3A_29] : memref<320000xi32, #tpu.memory_space<hbm>> -> memref<64xi32, #tpu.memory_space<hbm>>
    %dma_start3A_31 = tpu.memref_slice %arg5[%mul3A_29] : memref<320000xi32, #tpu.memory_space<hbm>> -> memref<64xi32, #tpu.memory_space<hbm>>
    tpu.enqueue_dma source(%dma_start3A_31 : memref<64xi32, #tpu.memory_space<hbm>>) target(%arg10 : memref<64xi32, #tpu.memory_space<vmem>>) target_semaphore(%arg27 : memref<!tpu.dma_semaphore, #tpu.memory_space<semaphore_mem>>)
    %dma_start3A_32 = tpu.memref_slice %arg6[%mul3A_29] : memref<320000xi32, #tpu.memory_space<hbm>> -> memref<64xi32, #tpu.memory_space<hbm>>
    %dma_start3A_33 = tpu.memref_slice %arg6[%mul3A_29] : memref<320000xi32, #tpu.memory_space<hbm>> -> memref<64xi32, #tpu.memory_space<hbm>>
    tpu.enqueue_dma source(%dma_start3A_33 : memref<64xi32, #tpu.memory_space<hbm>>) target(%arg12 : memref<64xi32, #tpu.memory_space<vmem>>) target_semaphore(%arg27 : memref<!tpu.dma_semaphore, #tpu.memory_space<semaphore_mem>>)
    %scan3A = arith.constant 0 : i32
    %scan3A_34 = arith.constant 0 : i32
    %scan3A_35 = arith.constant 79 : i32
    %scan3A_36 = arith.addi %scan3A_34, %scan3A_35 : i32
    %scan3A_37 = arith.constant 1 : i32
    scf.for %scan3A_47 = %scan3A_34 to %scan3A_36 step %scan3A_37  : i32 {
      %mul3A_48 = arith.constant 2 : i32
      %mul3A_49 = arith.muli %mul3A_48, %scan3A_47 : i32
      %add3A_50 = arith.constant 0 : i32
      %add3A_51 = arith.addi %mul3A_49, %add3A_50 : i32
      %lt3A_52 = arith.cmpi slt, %add3A_51, %select_n3A : i32
      %convert_element_type3A_53 = arith.extui %lt3A_52 : i1 to i32
      %cond3A_54 = arith.constant 0 : i32
      %cond3A_55 = arith.cmpi ne, %convert_element_type3A_53, %cond3A_54 : i32
      scf.if %cond3A_55 {
        %add3A_64 = arith.addi %add3A_10, %add3A_51 : i32
        %mul3A_65 = arith.constant 64 : i32
        %mul3A_66 = arith.muli %add3A_64, %mul3A_65 : i32
        %dma_wait3A = arith.constant 0 : i32
        %dma_wait3A_67 = arith.constant 0 : i32
        %dma_wait3A_68 = tpu.memref_slice %arg2[%dma_wait3A, %dma_wait3A_67] : memref<10000x128xf32, #tpu.memory_space<hbm>> -> memref<10000x128xf32, #tpu.memory_space<hbm>>
        tpu.wait_indirect_dma semaphore(%arg20 : memref<!tpu.dma_semaphore, #tpu.memory_space<semaphore_mem>>) src(%dma_wait3A_68 : memref<10000x128xf32, #tpu.memory_space<hbm>>) dst(%arg13 : memref<64x128xf32, #tpu.memory_space<vmem>>)
        %dma_wait3A_69 = arith.constant 0 : i32
        %dma_wait3A_70 = arith.constant 0 : i32
        %dma_wait3A_71 = tpu.memref_slice %arg3[%dma_wait3A_69, %dma_wait3A_70] : memref<10000x128xf32, #tpu.memory_space<hbm>> -> memref<10000x128xf32, #tpu.memory_space<hbm>>
        tpu.wait_indirect_dma semaphore(%arg22 : memref<!tpu.dma_semaphore, #tpu.memory_space<semaphore_mem>>) src(%dma_wait3A_71 : memref<10000x128xf32, #tpu.memory_space<hbm>>) dst(%arg15 : memref<64x128xf32, #tpu.memory_space<vmem>>)
        %dma_wait3A_72 = arith.constant 0 : i32
        %dma_wait3A_73 = tpu.memref_slice %arg4[%mul3A_66, %dma_wait3A_72] : memref<320000x128xf32, #tpu.memory_space<hbm>> -> memref<64x128xf32, #tpu.memory_space<hbm>>
        %dma_wait3A_74 = arith.constant 0 : i32
        %dma_wait3A_75 = tpu.memref_slice %arg4[%mul3A_66, %dma_wait3A_74] : memref<320000x128xf32, #tpu.memory_space<hbm>> -> memref<64x128xf32, #tpu.memory_space<hbm>>
        tpu.wait_dma2 semaphore(%arg24 : memref<!tpu.dma_semaphore, #tpu.memory_space<semaphore_mem>>) src(%dma_wait3A_75 : memref<64x128xf32, #tpu.memory_space<hbm>>) dst(%arg17 : memref<64x128xf32, #tpu.memory_space<vmem>>)
        %add3A_76 = arith.constant 1 : i32
        %add3A_77 = arith.addi %add3A_51, %add3A_76 : i32
        %lt3A_78 = arith.cmpi slt, %add3A_77, %select_n3A : i32
        %convert_element_type3A_79 = arith.extui %lt3A_78 : i1 to i32
        %cond3A_80 = arith.constant 0 : i32
        %cond3A_81 = arith.cmpi ne, %convert_element_type3A_79, %cond3A_80 : i32
        scf.if %cond3A_81 {
          %add3A_88 = arith.constant 1 : i32
          %add3A_89 = arith.addi %add3A_51, %add3A_88 : i32
          %add3A_90 = arith.addi %add3A_10, %add3A_89 : i32
          %mul3A_91 = arith.constant 64 : i32
          %mul3A_92 = arith.muli %add3A_90, %mul3A_91 : i32
          %dma_wait3A_93 = tpu.memref_slice %arg5[%mul3A_92] : memref<320000xi32, #tpu.memory_space<hbm>> -> memref<64xi32, #tpu.memory_space<hbm>>
          %dma_wait3A_94 = tpu.memref_slice %arg5[%mul3A_92] : memref<320000xi32, #tpu.memory_space<hbm>> -> memref<64xi32, #tpu.memory_space<hbm>>
          tpu.wait_dma2 semaphore(%arg27 : memref<!tpu.dma_semaphore, #tpu.memory_space<semaphore_mem>>) src(%dma_wait3A_94 : memref<64xi32, #tpu.memory_space<hbm>>) dst(%arg10 : memref<64xi32, #tpu.memory_space<vmem>>)
          %dma_wait3A_95 = tpu.memref_slice %arg6[%mul3A_92] : memref<320000xi32, #tpu.memory_space<hbm>> -> memref<64xi32, #tpu.memory_space<hbm>>
          %dma_wait3A_96 = tpu.memref_slice %arg6[%mul3A_92] : memref<320000xi32, #tpu.memory_space<hbm>> -> memref<64xi32, #tpu.memory_space<hbm>>
          tpu.wait_dma2 semaphore(%arg27 : memref<!tpu.dma_semaphore, #tpu.memory_space<semaphore_mem>>) src(%dma_wait3A_96 : memref<64xi32, #tpu.memory_space<hbm>>) dst(%arg12 : memref<64xi32, #tpu.memory_space<vmem>>)
          %add3A_97 = arith.constant 1 : i32
          %add3A_98 = arith.addi %add3A_51, %add3A_97 : i32
          %add3A_99 = arith.addi %add3A_10, %add3A_98 : i32
          %mul3A_100 = arith.constant 64 : i32
          %mul3A_101 = arith.muli %add3A_99, %mul3A_100 : i32
          %dma_start3A_102 = arith.constant 0 : i32
          %dma_start3A_103 = arith.constant 0 : i32
          %dma_start3A_104 = tpu.memref_slice %arg2[%dma_start3A_102, %dma_start3A_103] : memref<10000x128xf32, #tpu.memory_space<hbm>> -> memref<10000x128xf32, #tpu.memory_space<hbm>>
          tpu.enqueue_indirect_dma source(%dma_start3A_104 : memref<10000x128xf32, #tpu.memory_space<hbm>>) target(%arg14 : memref<64x128xf32, #tpu.memory_space<vmem>>) offsets(%arg10 : memref<64xi32, #tpu.memory_space<vmem>>) semaphore(%arg21 : memref<!tpu.dma_semaphore, #tpu.memory_space<semaphore_mem>>)
          %dma_start3A_105 = arith.constant 0 : i32
          %dma_start3A_106 = arith.constant 0 : i32
          %dma_start3A_107 = tpu.memref_slice %arg3[%dma_start3A_105, %dma_start3A_106] : memref<10000x128xf32, #tpu.memory_space<hbm>> -> memref<10000x128xf32, #tpu.memory_space<hbm>>
          tpu.enqueue_indirect_dma source(%dma_start3A_107 : memref<10000x128xf32, #tpu.memory_space<hbm>>) target(%arg16 : memref<64x128xf32, #tpu.memory_space<vmem>>) offsets(%arg12 : memref<64xi32, #tpu.memory_space<vmem>>) semaphore(%arg23 : memref<!tpu.dma_semaphore, #tpu.memory_space<semaphore_mem>>)
          %dma_start3A_108 = arith.constant 0 : i32
          %dma_start3A_109 = tpu.memref_slice %arg4[%mul3A_101, %dma_start3A_108] : memref<320000x128xf32, #tpu.memory_space<hbm>> -> memref<64x128xf32, #tpu.memory_space<hbm>>
          %dma_start3A_110 = arith.constant 0 : i32
          %dma_start3A_111 = tpu.memref_slice %arg4[%mul3A_101, %dma_start3A_110] : memref<320000x128xf32, #tpu.memory_space<hbm>> -> memref<64x128xf32, #tpu.memory_space<hbm>>
          tpu.enqueue_dma source(%dma_start3A_111 : memref<64x128xf32, #tpu.memory_space<hbm>>) target(%arg18 : memref<64x128xf32, #tpu.memory_space<vmem>>) target_semaphore(%arg25 : memref<!tpu.dma_semaphore, #tpu.memory_space<semaphore_mem>>)
        } else {
        }
        "tpu.region"() ({
          %run_scoped3A = tpu.sem_alloc : memref<!tpu.dma_semaphore, #tpu.memory_space<semaphore_mem>>
          %dma_start3A_88 = arith.constant 0 : i32
          %dma_start3A_89 = arith.constant 0 : i32
          %dma_start3A_90 = tpu.memref_slice %arg19[%dma_start3A_88, %dma_start3A_89] : memref<10000x128xf32, #tpu.memory_space<vmem_shared>> -> memref<10000x128xf32, #tpu.memory_space<vmem_shared>>
          tpu.enqueue_indirect_dma source(%arg13 : memref<64x128xf32, #tpu.memory_space<vmem>>) target(%dma_start3A_90 : memref<10000x128xf32, #tpu.memory_space<vmem_shared>>) offsets(%arg11 : memref<64xi32, #tpu.memory_space<vmem>>) semaphore(%run_scoped3A : memref<!tpu.dma_semaphore, #tpu.memory_space<semaphore_mem>>) {add = true}
          %dma_wait3A_91 = arith.constant 0 : i32
          %dma_wait3A_92 = arith.constant 0 : i32
          %dma_wait3A_93 = tpu.memref_slice %arg19[%dma_wait3A_91, %dma_wait3A_92] : memref<10000x128xf32, #tpu.memory_space<vmem_shared>> -> memref<10000x128xf32, #tpu.memory_space<vmem_shared>>
          tpu.wait_indirect_dma semaphore(%run_scoped3A : memref<!tpu.dma_semaphore, #tpu.memory_space<semaphore_mem>>) src(%arg13 : memref<64x128xf32, #tpu.memory_space<vmem>>) dst(%dma_wait3A_93 : memref<10000x128xf32, #tpu.memory_space<vmem_shared>>)
          tpu.yield
        }) : () -> ()
        %add3A_82 = arith.constant 2 : i32
        %add3A_83 = arith.addi %add3A_51, %add3A_82 : i32
        %lt3A_84 = arith.cmpi slt, %add3A_83, %select_n3A : i32
        %convert_element_type3A_85 = arith.extui %lt3A_84 : i1 to i32
        %cond3A_86 = arith.constant 0 : i32
        %cond3A_87 = arith.cmpi ne, %convert_element_type3A_85, %cond3A_86 : i32
        scf.if %cond3A_87 {
          %add3A_88 = arith.constant 2 : i32
          %add3A_89 = arith.addi %add3A_51, %add3A_88 : i32
          %add3A_90 = arith.addi %add3A_10, %add3A_89 : i32
          %mul3A_91 = arith.constant 64 : i32
          %mul3A_92 = arith.muli %add3A_90, %mul3A_91 : i32
          %dma_start3A_93 = tpu.memref_slice %arg5[%mul3A_92] : memref<320000xi32, #tpu.memory_space<hbm>> -> memref<64xi32, #tpu.memory_space<hbm>>
          %dma_start3A_94 = tpu.memref_slice %arg5[%mul3A_92] : memref<320000xi32, #tpu.memory_space<hbm>> -> memref<64xi32, #tpu.memory_space<hbm>>
          tpu.enqueue_dma source(%dma_start3A_94 : memref<64xi32, #tpu.memory_space<hbm>>) target(%arg9 : memref<64xi32, #tpu.memory_space<vmem>>) target_semaphore(%arg26 : memref<!tpu.dma_semaphore, #tpu.memory_space<semaphore_mem>>)
          %dma_start3A_95 = tpu.memref_slice %arg6[%mul3A_92] : memref<320000xi32, #tpu.memory_space<hbm>> -> memref<64xi32, #tpu.memory_space<hbm>>
          %dma_start3A_96 = tpu.memref_slice %arg6[%mul3A_92] : memref<320000xi32, #tpu.memory_space<hbm>> -> memref<64xi32, #tpu.memory_space<hbm>>
          tpu.enqueue_dma source(%dma_start3A_96 : memref<64xi32, #tpu.memory_space<hbm>>) target(%arg11 : memref<64xi32, #tpu.memory_space<vmem>>) target_semaphore(%arg26 : memref<!tpu.dma_semaphore, #tpu.memory_space<semaphore_mem>>)
        } else {
        }
      } else {
      }
      %mul3A_56 = arith.constant 2 : i32
      %mul3A_57 = arith.muli %mul3A_56, %scan3A_47 : i32
      %add3A_58 = arith.constant 1 : i32
      %add3A_59 = arith.addi %mul3A_57, %add3A_58 : i32
      %lt3A_60 = arith.cmpi slt, %add3A_59, %select_n3A : i32
      %convert_element_type3A_61 = arith.extui %lt3A_60 : i1 to i32
      %cond3A_62 = arith.constant 0 : i32
      %cond3A_63 = arith.cmpi ne, %convert_element_type3A_61, %cond3A_62 : i32
      scf.if %cond3A_63 {
        %add3A_64 = arith.addi %add3A_10, %add3A_59 : i32
        %mul3A_65 = arith.constant 64 : i32
        %mul3A_66 = arith.muli %add3A_64, %mul3A_65 : i32
        %dma_wait3A = arith.constant 0 : i32
        %dma_wait3A_67 = arith.constant 0 : i32
        %dma_wait3A_68 = tpu.memref_slice %arg2[%dma_wait3A, %dma_wait3A_67] : memref<10000x128xf32, #tpu.memory_space<hbm>> -> memref<10000x128xf32, #tpu.memory_space<hbm>>
        tpu.wait_indirect_dma semaphore(%arg21 : memref<!tpu.dma_semaphore, #tpu.memory_space<semaphore_mem>>) src(%dma_wait3A_68 : memref<10000x128xf32, #tpu.memory_space<hbm>>) dst(%arg14 : memref<64x128xf32, #tpu.memory_space<vmem>>)
        %dma_wait3A_69 = arith.constant 0 : i32
        %dma_wait3A_70 = arith.constant 0 : i32
        %dma_wait3A_71 = tpu.memref_slice %arg3[%dma_wait3A_69, %dma_wait3A_70] : memref<10000x128xf32, #tpu.memory_space<hbm>> -> memref<10000x128xf32, #tpu.memory_space<hbm>>
        tpu.wait_indirect_dma semaphore(%arg23 : memref<!tpu.dma_semaphore, #tpu.memory_space<semaphore_mem>>) src(%dma_wait3A_71 : memref<10000x128xf32, #tpu.memory_space<hbm>>) dst(%arg16 : memref<64x128xf32, #tpu.memory_space<vmem>>)
        %dma_wait3A_72 = arith.constant 0 : i32
        %dma_wait3A_73 = tpu.memref_slice %arg4[%mul3A_66, %dma_wait3A_72] : memref<320000x128xf32, #tpu.memory_space<hbm>> -> memref<64x128xf32, #tpu.memory_space<hbm>>
        %dma_wait3A_74 = arith.constant 0 : i32
        %dma_wait3A_75 = tpu.memref_slice %arg4[%mul3A_66, %dma_wait3A_74] : memref<320000x128xf32, #tpu.memory_space<hbm>> -> memref<64x128xf32, #tpu.memory_space<hbm>>
        tpu.wait_dma2 semaphore(%arg25 : memref<!tpu.dma_semaphore, #tpu.memory_space<semaphore_mem>>) src(%dma_wait3A_75 : memref<64x128xf32, #tpu.memory_space<hbm>>) dst(%arg18 : memref<64x128xf32, #tpu.memory_space<vmem>>)
        %add3A_76 = arith.constant 1 : i32
        %add3A_77 = arith.addi %add3A_59, %add3A_76 : i32
        %lt3A_78 = arith.cmpi slt, %add3A_77, %select_n3A : i32
        %convert_element_type3A_79 = arith.extui %lt3A_78 : i1 to i32
        %cond3A_80 = arith.constant 0 : i32
        %cond3A_81 = arith.cmpi ne, %convert_element_type3A_79, %cond3A_80 : i32
        scf.if %cond3A_81 {
          %add3A_88 = arith.constant 1 : i32
          %add3A_89 = arith.addi %add3A_59, %add3A_88 : i32
          %add3A_90 = arith.addi %add3A_10, %add3A_89 : i32
          %mul3A_91 = arith.constant 64 : i32
          %mul3A_92 = arith.muli %add3A_90, %mul3A_91 : i32
          %dma_wait3A_93 = tpu.memref_slice %arg5[%mul3A_92] : memref<320000xi32, #tpu.memory_space<hbm>> -> memref<64xi32, #tpu.memory_space<hbm>>
          %dma_wait3A_94 = tpu.memref_slice %arg5[%mul3A_92] : memref<320000xi32, #tpu.memory_space<hbm>> -> memref<64xi32, #tpu.memory_space<hbm>>
          tpu.wait_dma2 semaphore(%arg26 : memref<!tpu.dma_semaphore, #tpu.memory_space<semaphore_mem>>) src(%dma_wait3A_94 : memref<64xi32, #tpu.memory_space<hbm>>) dst(%arg9 : memref<64xi32, #tpu.memory_space<vmem>>)
          %dma_wait3A_95 = tpu.memref_slice %arg6[%mul3A_92] : memref<320000xi32, #tpu.memory_space<hbm>> -> memref<64xi32, #tpu.memory_space<hbm>>
          %dma_wait3A_96 = tpu.memref_slice %arg6[%mul3A_92] : memref<320000xi32, #tpu.memory_space<hbm>> -> memref<64xi32, #tpu.memory_space<hbm>>
          tpu.wait_dma2 semaphore(%arg26 : memref<!tpu.dma_semaphore, #tpu.memory_space<semaphore_mem>>) src(%dma_wait3A_96 : memref<64xi32, #tpu.memory_space<hbm>>) dst(%arg11 : memref<64xi32, #tpu.memory_space<vmem>>)
          %add3A_97 = arith.constant 1 : i32
          %add3A_98 = arith.addi %add3A_59, %add3A_97 : i32
          %add3A_99 = arith.addi %add3A_10, %add3A_98 : i32
          %mul3A_100 = arith.constant 64 : i32
          %mul3A_101 = arith.muli %add3A_99, %mul3A_100 : i32
          %dma_start3A_102 = arith.constant 0 : i32
          %dma_start3A_103 = arith.constant 0 : i32
          %dma_start3A_104 = tpu.memref_slice %arg2[%dma_start3A_102, %dma_start3A_103] : memref<10000x128xf32, #tpu.memory_space<hbm>> -> memref<10000x128xf32, #tpu.memory_space<hbm>>
          tpu.enqueue_indirect_dma source(%dma_start3A_104 : memref<10000x128xf32, #tpu.memory_space<hbm>>) target(%arg13 : memref<64x128xf32, #tpu.memory_space<vmem>>) offsets(%arg9 : memref<64xi32, #tpu.memory_space<vmem>>) semaphore(%arg20 : memref<!tpu.dma_semaphore, #tpu.memory_space<semaphore_mem>>)
          %dma_start3A_105 = arith.constant 0 : i32
          %dma_start3A_106 = arith.constant 0 : i32
          %dma_start3A_107 = tpu.memref_slice %arg3[%dma_start3A_105, %dma_start3A_106] : memref<10000x128xf32, #tpu.memory_space<hbm>> -> memref<10000x128xf32, #tpu.memory_space<hbm>>
          tpu.enqueue_indirect_dma source(%dma_start3A_107 : memref<10000x128xf32, #tpu.memory_space<hbm>>) target(%arg15 : memref<64x128xf32, #tpu.memory_space<vmem>>) offsets(%arg11 : memref<64xi32, #tpu.memory_space<vmem>>) semaphore(%arg22 : memref<!tpu.dma_semaphore, #tpu.memory_space<semaphore_mem>>)
          %dma_start3A_108 = arith.constant 0 : i32
          %dma_start3A_109 = tpu.memref_slice %arg4[%mul3A_101, %dma_start3A_108] : memref<320000x128xf32, #tpu.memory_space<hbm>> -> memref<64x128xf32, #tpu.memory_space<hbm>>
          %dma_start3A_110 = arith.constant 0 : i32
          %dma_start3A_111 = tpu.memref_slice %arg4[%mul3A_101, %dma_start3A_110] : memref<320000x128xf32, #tpu.memory_space<hbm>> -> memref<64x128xf32, #tpu.memory_space<hbm>>
          tpu.enqueue_dma source(%dma_start3A_111 : memref<64x128xf32, #tpu.memory_space<hbm>>) target(%arg17 : memref<64x128xf32, #tpu.memory_space<vmem>>) target_semaphore(%arg24 : memref<!tpu.dma_semaphore, #tpu.memory_space<semaphore_mem>>)
        } else {
        }
        "tpu.region"() ({
          %run_scoped3A = tpu.sem_alloc : memref<!tpu.dma_semaphore, #tpu.memory_space<semaphore_mem>>
          %dma_start3A_88 = arith.constant 0 : i32
          %dma_start3A_89 = arith.constant 0 : i32
          %dma_start3A_90 = tpu.memref_slice %arg19[%dma_start3A_88, %dma_start3A_89] : memref<10000x128xf32, #tpu.memory_space<vmem_shared>> -> memref<10000x128xf32, #tpu.memory_space<vmem_shared>>
          tpu.enqueue_indirect_dma source(%arg14 : memref<64x128xf32, #tpu.memory_space<vmem>>) target(%dma_start3A_90 : memref<10000x128xf32, #tpu.memory_space<vmem_shared>>) offsets(%arg12 : memref<64xi32, #tpu.memory_space<vmem>>) semaphore(%run_scoped3A : memref<!tpu.dma_semaphore, #tpu.memory_space<semaphore_mem>>) {add = true}
          %dma_wait3A_91 = arith.constant 0 : i32
          %dma_wait3A_92 = arith.constant 0 : i32
          %dma_wait3A_93 = tpu.memref_slice %arg19[%dma_wait3A_91, %dma_wait3A_92] : memref<10000x128xf32, #tpu.memory_space<vmem_shared>> -> memref<10000x128xf32, #tpu.memory_space<vmem_shared>>
          tpu.wait_indirect_dma semaphore(%run_scoped3A : memref<!tpu.dma_semaphore, #tpu.memory_space<semaphore_mem>>) src(%arg14 : memref<64x128xf32, #tpu.memory_space<vmem>>) dst(%dma_wait3A_93 : memref<10000x128xf32, #tpu.memory_space<vmem_shared>>)
          tpu.yield
        }) : () -> ()
        %add3A_82 = arith.constant 2 : i32
        %add3A_83 = arith.addi %add3A_59, %add3A_82 : i32
        %lt3A_84 = arith.cmpi slt, %add3A_83, %select_n3A : i32
        %convert_element_type3A_85 = arith.extui %lt3A_84 : i1 to i32
        %cond3A_86 = arith.constant 0 : i32
        %cond3A_87 = arith.cmpi ne, %convert_element_type3A_85, %cond3A_86 : i32
        scf.if %cond3A_87 {
          %add3A_88 = arith.constant 2 : i32
          %add3A_89 = arith.addi %add3A_59, %add3A_88 : i32
          %add3A_90 = arith.addi %add3A_10, %add3A_89 : i32
          %mul3A_91 = arith.constant 64 : i32
          %mul3A_92 = arith.muli %add3A_90, %mul3A_91 : i32
          %dma_start3A_93 = tpu.memref_slice %arg5[%mul3A_92] : memref<320000xi32, #tpu.memory_space<hbm>> -> memref<64xi32, #tpu.memory_space<hbm>>
          %dma_start3A_94 = tpu.memref_slice %arg5[%mul3A_92] : memref<320000xi32, #tpu.memory_space<hbm>> -> memref<64xi32, #tpu.memory_space<hbm>>
          tpu.enqueue_dma source(%dma_start3A_94 : memref<64xi32, #tpu.memory_space<hbm>>) target(%arg10 : memref<64xi32, #tpu.memory_space<vmem>>) target_semaphore(%arg27 : memref<!tpu.dma_semaphore, #tpu.memory_space<semaphore_mem>>)
          %dma_start3A_95 = tpu.memref_slice %arg6[%mul3A_92] : memref<320000xi32, #tpu.memory_space<hbm>> -> memref<64xi32, #tpu.memory_space<hbm>>
          %dma_start3A_96 = tpu.memref_slice %arg6[%mul3A_92] : memref<320000xi32, #tpu.memory_space<hbm>> -> memref<64xi32, #tpu.memory_space<hbm>>
          tpu.enqueue_dma source(%dma_start3A_96 : memref<64xi32, #tpu.memory_space<hbm>>) target(%arg12 : memref<64xi32, #tpu.memory_space<vmem>>) target_semaphore(%arg27 : memref<!tpu.dma_semaphore, #tpu.memory_space<semaphore_mem>>)
        } else {
        }
      } else {
      }
    }
    %scan3A_38 = arith.constant 79 : i32
    %barrier3A = arith.constant 0 : index
    tpu.barrier barrier_id(%barrier3A)
    %mul3A_39 = arith.constant 10000 : i32
    %mul3A_40 = arith.muli %arg0, %mul3A_39 : i32
    %add3A_41 = arith.addi %mul3A_40, %mul3A_2 : i32
    "tpu.region"() ({
      %run_scoped3A = tpu.sem_alloc : memref<!tpu.dma_semaphore, #tpu.memory_space<semaphore_mem>>
      %dma_start3A_47 = arith.constant 0 : i32
      %dma_start3A_48 = tpu.memref_slice %arg8[%add3A_41, %dma_start3A_47] : memref<20000x128xf32, #tpu.memory_space<hbm>> -> memref<624x128xf32, #tpu.memory_space<hbm>>
      %dma_start3A_49 = arith.constant 0 : i32
      %dma_start3A_50 = tpu.memref_slice %arg19[%mul3A_2, %dma_start3A_49] : memref<10000x128xf32, #tpu.memory_space<vmem_shared>> -> memref<624x128xf32, #tpu.memory_space<vmem_shared>>
      tpu.enqueue_dma source(%dma_start3A_50 : memref<624x128xf32, #tpu.memory_space<vmem_shared>>) target(%dma_start3A_48 : memref<624x128xf32, #tpu.memory_space<hbm>>) target_semaphore(%run_scoped3A : memref<!tpu.dma_semaphore, #tpu.memory_space<semaphore_mem>>)
      %dma_wait3A = arith.constant 0 : i32
      %dma_wait3A_51 = tpu.memref_slice %arg8[%add3A_41, %dma_wait3A] : memref<20000x128xf32, #tpu.memory_space<hbm>> -> memref<624x128xf32, #tpu.memory_space<hbm>>
      %dma_wait3A_52 = arith.constant 0 : i32
      %dma_wait3A_53 = tpu.memref_slice %arg19[%mul3A_2, %dma_wait3A_52] : memref<10000x128xf32, #tpu.memory_space<vmem_shared>> -> memref<624x128xf32, #tpu.memory_space<vmem_shared>>
      tpu.wait_dma2 semaphore(%run_scoped3A : memref<!tpu.dma_semaphore, #tpu.memory_space<semaphore_mem>>) src(%dma_wait3A_53 : memref<624x128xf32, #tpu.memory_space<vmem_shared>>) dst(%dma_wait3A_51 : memref<624x128xf32, #tpu.memory_space<hbm>>)
      tpu.yield
    }) : () -> ()
    %eq3A_42 = arith.constant 15 : i32
    %eq3A_43 = arith.cmpi eq, %arg1, %eq3A_42 : i32
    %convert_element_type3A_44 = arith.extui %eq3A_43 : i1 to i32
    %cond3A_45 = arith.constant 0 : i32
    %cond3A_46 = arith.cmpi ne, %convert_element_type3A_44, %cond3A_45 : i32
    scf.if %cond3A_46 {
      %mul3A_47 = arith.constant 10000 : i32
      %mul3A_48 = arith.muli %arg0, %mul3A_47 : i32
      %add3A_49 = arith.constant 9984 : i32
      %add3A_50 = arith.addi %mul3A_48, %add3A_49 : i32
      "tpu.region"() ({
        %run_scoped3A = tpu.sem_alloc : memref<!tpu.dma_semaphore, #tpu.memory_space<semaphore_mem>>
        %dma_start3A_51 = arith.constant 0 : i32
        %dma_start3A_52 = tpu.memref_slice %arg8[%add3A_50, %dma_start3A_51] : memref<20000x128xf32, #tpu.memory_space<hbm>> -> memref<16x128xf32, #tpu.memory_space<hbm>>
        %dma_start3A_53 = arith.constant 9984 : i32
        %dma_start3A_54 = arith.constant 0 : i32
        %dma_start3A_55 = tpu.memref_slice %arg19[%dma_start3A_53, %dma_start3A_54] : memref<10000x128xf32, #tpu.memory_space<vmem_shared>> -> memref<16x128xf32, #tpu.memory_space<vmem_shared>>
        tpu.enqueue_dma source(%dma_start3A_55 : memref<16x128xf32, #tpu.memory_space<vmem_shared>>) target(%dma_start3A_52 : memref<16x128xf32, #tpu.memory_space<hbm>>) target_semaphore(%run_scoped3A : memref<!tpu.dma_semaphore, #tpu.memory_space<semaphore_mem>>)
        %dma_wait3A = arith.constant 0 : i32
        %dma_wait3A_56 = tpu.memref_slice %arg8[%add3A_50, %dma_wait3A] : memref<20000x128xf32, #tpu.memory_space<hbm>> -> memref<16x128xf32, #tpu.memory_space<hbm>>
        %dma_wait3A_57 = arith.constant 9984 : i32
        %dma_wait3A_58 = arith.constant 0 : i32
        %dma_wait3A_59 = tpu.memref_slice %arg19[%dma_wait3A_57, %dma_wait3A_58] : memref<10000x128xf32, #tpu.memory_space<vmem_shared>> -> memref<16x128xf32, #tpu.memory_space<vmem_shared>>
        tpu.wait_dma2 semaphore(%run_scoped3A : memref<!tpu.dma_semaphore, #tpu.memory_space<semaphore_mem>>) src(%dma_wait3A_59 : memref<16x128xf32, #tpu.memory_space<vmem_shared>>) dst(%dma_wait3A_56 : memref<16x128xf32, #tpu.memory_space<hbm>>)
        tpu.yield
      }) : () -> ()
    } else {
    }
    return
  }
}

module attributes {stable_mosaic.version = 14 : i64} {
  func.func @_node_tables_body(%arg0: memref<10000x128xf32, #tpu.memory_space<vmem>>, %arg1: memref<272x128xf32, #tpu.memory_space<vmem>>, %arg2: memref<10000x128xf32, #tpu.memory_space<vmem>>, %arg3: memref<10000x128xf32, #tpu.memory_space<vmem>>) attributes {dimension_semantics = [], scalar_prefetch = 0 : i64, scratch_operands = 0 : i64, tpu.core_type = #tpu.core_type<tc>} {
    %get3A = arith.constant 0 : index
    %get3A_0 = arith.constant 0 : index
    %get3A_1 = vector.load %arg0[%get3A, %get3A_0] : memref<10000x128xf32, #tpu.memory_space<vmem>>, vector<10000x128xf32>
    %get3A_2 = arith.constant 0 : index
    %get3A_3 = arith.constant 0 : index
    %get3A_4 = vector.load %arg1[%get3A_2, %get3A_3] : memref<272x128xf32, #tpu.memory_space<vmem>>, vector<128x128xf32>
    %dot_general3A = arith.constant dense<0.000000e+00> : vector<10000x128xf32>
    %dot_general3A_5 = tpu.matmul %get3A_1, %get3A_4, %dot_general3A {dimension_numbers = #tpu.dot_dimension_numbers<[1], [0], [0], [1], [0, 0, 1, 1], [], []>, transpose_lhs_hint = false} : vector<10000x128xf32>, vector<128x128xf32>, vector<10000x128xf32> -> vector<10000x128xf32>
    %swap3A = arith.constant 0 : index
    %swap3A_6 = arith.constant 0 : index
    %swap3A_7 = vector.load %arg2[%swap3A, %swap3A_6] : memref<10000x128xf32, #tpu.memory_space<vmem>>, vector<10000x128xf32>
    tpu.vector_store %arg2[%swap3A, %swap3A_6], %dot_general3A_5 {strides = array<i32>} : memref<10000x128xf32, #tpu.memory_space<vmem>>, vector<10000x128xf32>,
    %get3A_8 = arith.constant 128 : index
    %get3A_9 = arith.constant 0 : index
    %get3A_10 = vector.load %arg1[%get3A_8, %get3A_9] : memref<272x128xf32, #tpu.memory_space<vmem>>, vector<128x128xf32>
    %dot_general3A_11 = arith.constant dense<0.000000e+00> : vector<10000x128xf32>
    %dot_general3A_12 = tpu.matmul %get3A_1, %get3A_10, %dot_general3A_11 {dimension_numbers = #tpu.dot_dimension_numbers<[1], [0], [0], [1], [0, 0, 1, 1], [], []>, transpose_lhs_hint = false} : vector<10000x128xf32>, vector<128x128xf32>, vector<10000x128xf32> -> vector<10000x128xf32>
    %swap3A_13 = arith.constant 0 : index
    %swap3A_14 = arith.constant 0 : index
    %swap3A_15 = vector.load %arg3[%swap3A_13, %swap3A_14] : memref<10000x128xf32, #tpu.memory_space<vmem>>, vector<10000x128xf32>
    tpu.vector_store %arg3[%swap3A_13, %swap3A_14], %dot_general3A_12 {strides = array<i32>} : memref<10000x128xf32, #tpu.memory_space<vmem>>, vector<10000x128xf32>,
    return
  }
}

module attributes {stable_mosaic.version = 14 : i64} {
  func.func @_edge_c_body(%arg0: i32, %arg1: memref<8000x16xf32, #tpu.memory_space<vmem>>, %arg2: memref<272x128xf32, #tpu.memory_space<vmem>>, %arg3: memref<1x128xf32, #tpu.memory_space<vmem>>, %arg4: memref<8000x128xf32, #tpu.memory_space<vmem>>) attributes {dimension_semantics = [#tpu.dimension_semantics<arbitrary>], iteration_bounds = array<i64: 40>, scalar_prefetch = 0 : i64, scratch_operands = 0 : i64, tpu.core_type = #tpu.core_type<tc>, window_params = [{transform_indices = @transform_0, window_bounds = array<i64: 8000, 16>}, {pipeline_mode = #tpu.pipeline_mode<synchronous>, transform_indices = @transform_1, window_bounds = array<i64: 272, 128>}, {pipeline_mode = #tpu.pipeline_mode<synchronous>, transform_indices = @transform_2, window_bounds = array<i64: 1, 128>}, {transform_indices = @transform_3, window_bounds = array<i64: 8000, 128>}]} {
    %get3A = arith.constant 0 : index
    %get3A_0 = arith.constant 0 : index
    %get3A_1 = vector.load %arg1[%get3A, %get3A_0] : memref<8000x16xf32, #tpu.memory_space<vmem>>, vector<8000x16xf32>
    %get3A_2 = arith.constant 256 : index
    %get3A_3 = arith.constant 0 : index
    %get3A_4 = vector.load %arg2[%get3A_2, %get3A_3] : memref<272x128xf32, #tpu.memory_space<vmem>>, vector<16x128xf32>
    %dot_general3A = arith.constant dense<0.000000e+00> : vector<8000x128xf32>
    %dot_general3A_5 = tpu.matmul %get3A_1, %get3A_4, %dot_general3A {dimension_numbers = #tpu.dot_dimension_numbers<[1], [0], [0], [1], [0, 0, 1, 1], [], []>, transpose_lhs_hint = false} : vector<8000x16xf32>, vector<16x128xf32>, vector<8000x128xf32> -> vector<8000x128xf32>
    %get3A_6 = arith.constant 0 : index
    %get3A_7 = arith.constant 0 : index
    %get3A_8 = vector.load %arg3[%get3A_6, %get3A_7] : memref<1x128xf32, #tpu.memory_space<vmem>>, vector<1x128xf32>
    %add3A = vector.broadcast %get3A_8 : vector<1x128xf32> to vector<8000x128xf32>
    %add3A_9 = arith.addf %dot_general3A_5, %add3A : vector<8000x128xf32>
    %swap3A = arith.constant 0 : index
    %swap3A_10 = arith.constant 0 : index
    %swap3A_11 = vector.load %arg4[%swap3A, %swap3A_10] : memref<8000x128xf32, #tpu.memory_space<vmem>>, vector<8000x128xf32>
    tpu.vector_store %arg4[%swap3A, %swap3A_10], %add3A_9 {strides = array<i32>} : memref<8000x128xf32, #tpu.memory_space<vmem>>, vector<8000x128xf32>,
    return
  }
  func.func @transform_0(%arg0: i32) -> (i32, i32) {
    %c0_i32 = arith.constant 0 : i32
    %c0_i32_0 = arith.constant 0 : i32
    return %arg0, %c0_i32 : i32, i32
  }
  func.func @transform_1(%arg0: i32) -> (i32, i32) {
    %c0_i32 = arith.constant 0 : i32
    %c0_i32_0 = arith.constant 0 : i32
    %c0_i32_1 = arith.constant 0 : i32
    return %c0_i32, %c0_i32_0 : i32, i32
  }
  func.func @transform_2(%arg0: i32) -> (i32, i32) {
    %c0_i32 = arith.constant 0 : i32
    %c0_i32_0 = arith.constant 0 : i32
    %c0_i32_1 = arith.constant 0 : i32
    return %c0_i32, %c0_i32_0 : i32, i32
  }
  func.func @transform_3(%arg0: i32) -> (i32, i32) {
    %c0_i32 = arith.constant 0 : i32
    %c0_i32_0 = arith.constant 0 : i32
    return %arg0, %c0_i32 : i32, i32
  }
}

module attributes {stable_mosaic.version = 14 : i64} {
  func.func @_add_body(%arg0: i32, %arg1: memref<80x128xf32, #tpu.memory_space<vmem>>, %arg2: memref<80x128xf32, #tpu.memory_space<vmem>>, %arg3: memref<80x128xf32, #tpu.memory_space<vmem>>) attributes {dimension_semantics = [#tpu.dimension_semantics<arbitrary>], iteration_bounds = array<i64: 125>, scalar_prefetch = 0 : i64, scratch_operands = 0 : i64, tpu.core_type = #tpu.core_type<tc>, window_params = [{transform_indices = @transform_0, window_bounds = array<i64: 80, 128>}, {transform_indices = @transform_1, window_bounds = array<i64: 80, 128>}, {transform_indices = @transform_2, window_bounds = array<i64: 80, 128>}]} {
    %get3A = arith.constant 0 : index
    %get3A_0 = arith.constant 0 : index
    %get3A_1 = vector.load %arg1[%get3A, %get3A_0] : memref<80x128xf32, #tpu.memory_space<vmem>>, vector<80x128xf32>
    %get3A_2 = arith.constant 0 : index
    %get3A_3 = arith.constant 0 : index
    %get3A_4 = vector.load %arg2[%get3A_2, %get3A_3] : memref<80x128xf32, #tpu.memory_space<vmem>>, vector<80x128xf32>
    %add3A = arith.addf %get3A_1, %get3A_4 : vector<80x128xf32>
    %swap3A = arith.constant 0 : index
    %swap3A_5 = arith.constant 0 : index
    %swap3A_6 = vector.load %arg3[%swap3A, %swap3A_5] : memref<80x128xf32, #tpu.memory_space<vmem>>, vector<80x128xf32>
    tpu.vector_store %arg3[%swap3A, %swap3A_5], %add3A {strides = array<i32>} : memref<80x128xf32, #tpu.memory_space<vmem>>, vector<80x128xf32>,
    return
  }
  func.func @transform_0(%arg0: i32) -> (i32, i32) {
    %c0_i32 = arith.constant 0 : i32
    %c0_i32_0 = arith.constant 0 : i32
    return %arg0, %c0_i32 : i32, i32
  }
  func.func @transform_1(%arg0: i32) -> (i32, i32) {
    %add3A = arith.constant 125 : i32
    %add3A_0 = arith.addi %arg0, %add3A : i32
    %c0_i32 = arith.constant 0 : i32
    %c0_i32_1 = arith.constant 0 : i32
    return %add3A_0, %c0_i32 : i32, i32
  }
  func.func @transform_2(%arg0: i32) -> (i32, i32) {
    %c0_i32 = arith.constant 0 : i32
    %c0_i32_0 = arith.constant 0 : i32
    return %arg0, %c0_i32 : i32, i32
  }
}

</mosaic_0001>

<sc_bundles>
// kernel: kernel.6.cloned.1.call-start
scs
__scs_entry_jumppad:
0x0: {  	(pc) =	sbr.rel $0x88, $3  }
0x1: {  	(tag) =	ssettag $0x0;
	lr =	simm.s32 $0x1  }
0x2: {  	[smem:$0x3F9C] =	sst lr;
	_ =	strace $0xD0000000  }
0x3: {  	_ = 	snop  }
0x4: {  	_ = 	snop  }
0x5: {  	_ = 	snop  }
0x6: {  	_ = 	snop  }
0x7: {  	_ = 	snop  }
__scs_overlays_trampoline_lowered:
0x8: {  	[smem:$0x3FAB] =	sst s0  }
0x9: {  	[smem:$0x3FAC] =	sst s1  }
0xa: {  	[smem:$0x3FAD] =	sst s2  }
0xb: {  	[smem:$0x3FAE] =	sst s3  }
0xc: {  	[smem:$0x3FAF] =	sst s4  }
0xd: {  	[smem:$0x3FB0] =	sst s5  }
0xe: {  	[smem:$0x3FB1] =	sst s6  }
0xf: {  	[smem:$0x3FB2] =	sst s7  }
0x10: {  	[smem:$0x3FB3] =	sst s8  }
0x11: {  	[smem:$0x3FB4] =	sst s9;
	s0 =	simm.s32 @!p0 $0x0  }
0x12: {  	s1 =	sld [smem:$0x3F9A];
	s0 =	simm.s32 @p0 $0x1  }
0x13: {  	[smem:$0x3FB5] =	sst s0;
	s0 =	simm.s32 @!p1 $0x0  }
0x14: {  	s2 =	sld [smem:$0x3F99];
	s0 =	simm.s32 @p1 $0x1  }
0x15: {  	[smem:$0x3FB6] =	sst s0;
	s0 =	simm.s32 @!p2 $0x0  }
0x16: {  	s3 =	sld [smem:$0x3FDB];
	s0 =	simm.s32 @p2 $0x1  }
0x17: {  	s4 =	simm.s32 $0x1BF5;
	[smem:$0x3FB8] =	sst s0  }
0x18: {  	s0 =	sld [smem:$0x3F9B];
	_ =	swait.ge [sflag:s4], $0x0  }
0x19: {  	s7 =	sld [smem:$0x3F9C]  }
0x1a: {  	s8 =	sadd.s32 $0xFFFFE003, lr  }
0x1b: {  	s9 =	sadd.s32 $0xFFFFFEF7, lr;
	s5 =	simm.s32 $0xFFFFFFFF;
	p2 =	slt.u32 s8, $0xFFFFF086  }
0x1c: {  	p1 =	slt.u32 s9, $0xF7A;
	s5 =	simm.s32 @!p2 $0x0  }
0x1d: {  	s5 =	simm.s32 @p1 $0x1;
	p0 =	seq.s32 s7, s2  }
0x1e: {  	s7 =	smul.u32 @!p0 $0xF7A, s2;
	p2 =	seq.s32 @!p0 s5, $0x0  }
0x1f: {  	s9 =	smul.u32 $0xF7A, s1;
	s8 =	simm.s32 @!p0 $0x1BF5;
	p2 =	por !p2, p0  }
0x20: {  	[sflag:s8] =	ssyncset.s32 @!p0 $0xFFFFF086;
	s6 =	sadd.s32 @!p0 s3, s7;
	s7 =	simm.s32 @!p0 $0x108  }
0x21: {  	s3 =	sadd.s32 s3, s9;
	s6 =	sadd.s32 @!p0 $0x88, s6;
	s7 =	simm.s32 @p2 $0x1082  }
0x22: {  	[simem:s7], [sflag:s8] =	dma.local @!p0 [hbm:s6], $0xF7A  }
0x23: {  	s9 =	sor.u32 $0xD0000000, s2;
	s6 =	simm.s32 $0x108;
	_ =	swait.ge @!p0 [sflag:s8], $0x0  }
0x24: {  	s3 =	sadd.s32 $0x88, s3;
	s6 =	simm.s32 @!p1 $0x1082;
	[sflag:s4] =	ssyncset.s32 $0xFFFFF086  }
0x25: {  	[simem:s6], [sflag:s4] =	dma.local [hbm:s3], $0xF7A  }
0x26: {  	[smem:$0x3F9C] =	sst s1;
	(tag) =	ssettag s2;
	_ =	strace s9  }
0x27: {  	s1 =	sld [smem:$0x3FAC]  }
0x28: {  	s2 =	sld [smem:$0x3FAD]  }
0x29: {  	s4 =	sld [smem:$0x3FAF]  }
0x2a: {  	p0 =	seq.s32 s5, $0x0;
	s5 =	sld [smem:$0x3FB0]  }
0x2b: {  	s6 =	sld [smem:$0x3FB1]  }
0x2c: {  	s7 =	sld [smem:$0x3FB2]  }
0x2d: {  	s3 =	simm.s32 $0x108;
	s8 =	sld [smem:$0x3FB3]  }
0x2e: {  	s3 =	simm.s32 @!p0 $0x1082;
	s9 =	sld [smem:$0x3FB4]  }
0x2f: {  	lr =	sadd.s32 s0, s3;
	s0 =	sld [smem:$0x3FAB]  }
0x30: {  	s3 =	sld [smem:$0x3FAE]  }
0x31: {  	[smem:$0x3FB7] =	sst s10  }
0x32: {  	s10 =	sld [smem:$0x3FB5];
	_ =	sdelay $0x3  }
0x33: {  	p0 =	seq.s32 s10, $0x1;
	s10 =	sld [smem:$0x3FB7];
	_ =	sdelay $0x3  }
0x34: {  	[smem:$0x3FB7] =	sst s10  }
0x35: {  	s10 =	sld [smem:$0x3FB6];
	_ =	sdelay $0x3  }
0x36: {  	p1 =	seq.s32 s10, $0x1;
	s10 =	sld [smem:$0x3FB7];
	_ =	sdelay $0x3  }
0x37: {  	[smem:$0x3FB7] =	sst s10  }
0x38: {  	s10 =	sld [smem:$0x3FB8]  }
0x39: {  	_ = 	snop;
	(pc) =	sbr.ind lr, $3  }
0x3a: {  	_ = 	snop  }
0x3b: {  	_ = 	snop  }
0x3c: {  	p2 =	seq.s32 s10, $0x1;
	s10 =	sld [smem:$0x3FB7]  }
0x3d: {  	_ =	shalt  }
0x3e: {  	_ =	shalt  }
0x3f: {  	_ =	shalt  }
0x40: {  	_ =	shalt  }
0x41: {  	_ =	shalt  }
0x42: {  	_ =	shalt  }
0x43: {  	_ =	shalt  }
0x44: {  	_ =	shalt  }
0x45: {  	_ =	shalt  }
0x46: {  	_ =	shalt  }
0x47: {  	_ =	shalt  }
0x48: {  	_ =	shalt  }
0x49: {  	_ =	shalt  }
0x4a: {  	_ =	shalt  }
0x4b: {  	_ =	shalt  }
0x4c: {  	_ =	shalt  }
0x4d: {  	_ =	shalt  }
0x4e: {  	_ =	shalt  }
0x4f: {  	_ =	shalt  }
0x50: {  	_ =	shalt  }
0x51: {  	_ =	shalt  }
0x52: {  	_ =	shalt  }
0x53: {  	_ =	shalt  }
0x54: {  	_ =	shalt  }
0x55: {  	_ =	shalt  }
0x56: {  	_ =	shalt  }
0x57: {  	_ =	shalt  }
0x58: {  	_ =	shalt  }
0x59: {  	_ =	shalt  }
0x5a: {  	_ =	shalt  }
0x5b: {  	_ =	shalt  }
0x5c: {  	_ =	shalt  }
0x5d: {  	_ =	shalt  }
0x5e: {  	_ =	shalt  }
0x5f: {  	_ =	shalt  }
0x60: {  	_ =	shalt  }
0x61: {  	_ =	shalt  }
0x62: {  	_ =	shalt  }
0x63: {  	_ =	shalt  }
0x64: {  	_ =	shalt  }
0x65: {  	_ =	shalt  }
0x66: {  	_ =	shalt  }
0x67: {  	_ =	shalt  }
0x68: {  	_ =	shalt  }
0x69: {  	_ =	shalt  }
0x6a: {  	_ =	shalt  }
0x6b: {  	_ =	shalt  }
0x6c: {  	_ =	shalt  }
0x6d: {  	_ =	shalt  }
0x6e: {  	_ =	shalt  }
0x6f: {  	_ =	shalt  }
0x70: {  	_ =	shalt  }
0x71: {  	_ =	shalt  }
0x72: {  	_ =	shalt  }
0x73: {  	_ =	shalt  }
0x74: {  	_ =	shalt  }
0x75: {  	_ =	shalt  }
0x76: {  	_ =	shalt  }
0x77: {  	_ =	shalt  }
0x78: {  	_ =	shalt  }
0x79: {  	_ =	shalt  }
0x7a: {  	_ =	shalt  }
0x7b: {  	_ =	shalt  }
0x7c: {  	_ =	shalt  }
0x7d: {  	_ =	shalt  }
0x7e: {  	_ =	shalt  }
0x7f: {  	_ =	shalt  }
0x80: {  	_ =	shalt  }
0x81: {  	_ =	shalt  }
0x82: {  	_ =	shalt  }
0x83: {  	_ =	shalt  }
0x84: {  	_ =	shalt  }
0x85: {  	_ =	shalt  }
0x86: {  	_ =	shalt  }
0x87: {  	_ =	shalt  }
.Lfunc_end0:
.L_simem_size_0:
called_computation_lowered:
.L_overlay_start_0:
0x88: {  	s2 =	sld [smem:$0x3FD9]  }
0x89: {  	s3 =	sld [smem:$0x3FFE];
	_ =	sdelay $0x1  }
0x8a: {  	s1 =	srdreg.scid  }
0x8b: {  	s0 =	sand.u32 $0x1, s1  }
0x8c: {  	s17 =	sshll.u32 s0, $0xA;
	s2 =	sadd.s32 s3, s2  }
0x8d: {  	s2 =	sadd.s32 s2, s17  }
0x8e: {  	[smem:$0x3FC3] =	sst s2  }
0x8f: {  	_ = 	snop  }
0x90: {  	s2 =	sld [smem:$0x3FD0];
	(tm) =	ssettm $0x1  }
0x91: {  	s18 =	sld [smem:$0x3FFB];
	_ =	sdelay $0x3  }
0x92: {  	_ =	strace s18  }
0x93: {  	s3 =	sld [smem:$0x3FFC];
	_ =	sdelay $0x3  }
0x94: {  	_ =	strace s3  }
0x95: {  	s3 =	sld [smem:$0x3FFD];
	_ =	sdelay $0x3  }
0x96: {  	_ =	strace s3  }
0x97: {  	_ =	strace $0x8FFFFFFF  }
0x98: {  	s19 =	sld [smem:$0x3FDB];
	_ =	sdelay $0x1  }
0x99: {  	s4 =	simm.s32 $_scs_section_size  }
0x9a: {  	s5 =	simm.s32 $_size__tile_overlayer_lowered;
	s6 =	simm.s32 $_tile_overlayer_lowered  }
0x9b: {  	s22 =	simm.s32 $0x1BFF;
	s21 =	sshll.u32 s6, $0x1;
	s3 =	sadd.s32 s4, s19  }
0x9c: {  	s7 =	simm.s32 $0x0;
	s20 =	sshll.u32 s5, $0x1;
	s5 =	sadd.s32 s21, s3  }
0x9d: {  	[timem:s7], [sflag:s22] =	dma.local [hbm:s5], s20  }
0x9e: {  	_ =	swait.ge [sflag:s22], s20  }
0x9f: {  	s4 =	ssub.s32 $0x0, s20;
	[sflag:s22] =	ssyncset.done $0x0  }
0xa0: {  	[sflag:s22] =	ssyncadd.s32 s4;
	_ =	sdelay $0x1  }
0xa1: {  	s23 =	simm.s32 $0x1B8B  }
0xa2: {  	_ =	swait.ge [sflag:s23], $0x1  }
0xa3: {  	[sflag:s23] =	ssyncset.done $0x0  }
0xa4: {  	s25 =	simm.s32 $0x1B8E;
	s24 =	sld [smem:$0x3FFE];
	[sflag:s23] =	ssyncadd.s32 $0xFFFFFFFF  }
0xa5: {  	s26 =	simm.s32 $execute0_lowered;
	[smem:$0x3FD2] =	sst s25  }
0xa6: {  	s5 =	sshll.u32 s26, $0x1;
	_ =	strace $0x80000046;
	[dreg:$0x1] =	wrdreg $0xFFFFFFFF  }
0xa7: {  	s28 =	simm.s32 $_size_execute0_lowered;
	s3 =	sadd.s32 s3, s5;
	[dreg:$0x0] =	wrdreg $0x0  }
0xa8: {  	s5 =	sshll.u32 s28, $0x1;
	[dreg:$0x2] =	wrdreg s3  }
0xa9: {  	[dreg:$0x3] =	wrdreg s5  }
0xaa: {  	[dreg:$0x4] =	wrdreg $0xC0  }
0xab: {  	_ =	task [dreg:s7], $0x5FFFF  }
0xac: {  	[dreg:$0x1] =	wrdreg $0xFFFFFFFF  }
0xad: {  	[dreg:$0x0] =	wrdreg $0x60  }
0xae: {  	[dreg:$0x2] =	wrdreg s2  }
0xaf: {  	[dreg:$0x3] =	wrdreg s24  }
0xb0: {  	[dreg:$0x4] =	wrdreg $0xC2000  }
0xb1: {  	[dreg:$0x5] =	wrdreg $0x9  }
0xb2: {  	_ =	task.clear_ibuf [dreg:s7], $0x6FFFF;
	_ =	strace $0x90000046  }
0xb3: {  	s29 =	simm.s32 $0x9;
	_ =	strace $0x80000048  }
0xb4: {  	_ =	swait.ge [sflag:s29], $0x1  }
0xb5: {  	[sflag:s29] =	ssyncadd.s32 $0xFFFFFFFF  }
0xb6: {  	_ =	strace $0x90000048  }
0xb7: {  	_ =	sfence  }
0xb8: {  	s30 =	sld [smem:$0x0];
	_ =	sdelay $0x2  }
0xb9: {  	s31 =	sshll.u32 s1, $0xD;
	s1 =	sshrl.u32 s1, $0x2  }
0xba: {  	s3 =	sand.u32 $0x4000, s31;
	s1 =	sadd.s32 s1, s30  }
0xbb: {  	s0 =	sor.u32 s3, s0;
	s1 =	sshll.u32 s1, $0x11  }
0xbc: {  	s0 =	sor.u32 s1, s0  }
0xbd: {  	s0 =	sadd.s32 $0x8F2B, s0  }
0xbe: {  	[sflag:s0] =	ssyncadd.remote.s32 $0x1  }
0xbf: {  	_ =	sfence.sel $0xFFFF  }
0xc0: {  	[dreg:$0x0] =	wrdreg $0xFFFFFFFF;
	(pc) =	sbr.abs _section_cstart, $3  }
0xc1: {  	[dreg:$0x1] =	wrdreg $0xFFFFFFFF  }
0xc2: {  	_ =	task.clear_ibuf [dreg:s7], $0x2FFFF;
	_ =	strace $0x9FFFFFFF  }
0xc3: {  	(tm) =	ssettm $0x7FFFFFFF  }
tec
execute0_lowered:
.L_overlay_start_1:
0x0: {  	(tag) =	ssettag $0x1  }
0x1: {  	s1 =	rddreg [dreg:$0x0]  }
0x2: {  	s0 =	rddreg [dreg:$0x1]  }
0x3: {  	s2 =	rddreg [dreg:$0x2];
	s3 =	simm.s32 $0x0;
	s8 =	srdreg.scid  }
0x4: {  	s21 =	stileid.u32;
	[smem:$0x7FF] =	sst s3;
	s4 =	sadd.s32 $0x4F6800, s0  }
0x5: {  	s30 =	simm.s32 $0x0;
	s5 =	sadd.s32 $0x51DA00, s0;
	s7 =	sadd.s32 $0x4ECA00, s0  }
0x6: {  	s9 =	sadd.s32 $0x4E2C00, s0;
	s6 =	sadd.s32 $0xC00, s0;
	s12 =	smul.u32 $0x4E000, s21  }
0x7: {  	s0 =	sadd.s32 $0x3400, s0;
	s11 =	sand.u32 $0x1, s8;
	s16 =	smul.u32 $0x2700, s21  }
0x8: {  	s25 =	sshll.u32 s21, $0x6;
	s26 =	sadd.s32 $0x138000, s2;
	s15 =	smul.u32 $0x9C, s21  }
0x9: {  	_ =	strace $0x80000047;
	s8 =	ssub.s32 $0x2, s11;
	s19 =	smul.u32 $0x27100, s11  }
0xa: {  	s10 =	sshll.u32 s11, $0x4;
	[dreg:$0xa] =	wrdreg s26;
	s20 =	smul.u32 $0x9C0, s11  }
0xb: {  	s11 =	smul.u32 $0x138800, s11;
	s13 =	sshrl.u32 s8, $0x1;
	s10 =	sor.u32 s21, s10  }
0xc: {  	s23 =	sshrl.u32 s12, $0x2;
	s18 =	ssub.s32 s8, s13;
	s24 =	smul.u32 $0x9C, s10  }
0xd: {  	s8 =	sadd.s32 s23, s2;
	s17 =	smin.u32 s10, $0x8;
	p0 =	slt.u32 s10, $0x8  }
0xe: {  	s10 =	simm.s32 $0x9D;
	s20 =	sadd.s32 s15, s20;
	s19 =	sadd.s32 s16, s19  }
0xf: {  	s11 =	sshrl.u32 s11, $0x3;
	[dreg:$0x9] =	wrdreg s8;
	s8 =	sor.u32 $0x1C09, s25  }
0x10: {  	s10 =	simm.s32 @!p0 $0x9C;
	s20 =	sadd.s32 s17, s20;
	s16 =	sadd.s32 s0, s19  }
0x11: {  	s0 =	sadd.s32 s0, s11;
	s18 =	smax.u32 s18, $0x1;
	p0 =	sne.s32 s21, $0xF  }
0x12: {  	s21 =	simm.s32 $0x9;
	s12 =	sadd.s32 s17, s24;
	s31 =	sadd.s32 $0xFFFFFFFF, s10  }
0x13: {  	s22 =	sshll.u32 s20, $0x3;
	s17 =	sadd.s32 $0x27000, s0;
	s14 =	sshll.u32 s12, $0x3  }
0x14: {  	s23 =	sshll.u32 s20, $0xA;
	[dreg:$0x6] =	wrdreg s31;
	s28 =	sadd.s32 s7, s14  }
0x15: {  	s12 =	sshll.u32 s12, $0xA;
	s29 =	sadd.s32 s9, s14;
	[dreg:$0xb] =	wrdreg s28  }
0x16: {  	s24 =	sadd.s32 $0x18, s22;
	s12 =	sadd.s32 s5, s12;
	[dreg:$0xc] =	wrdreg s29  }
0x17: {  	s0 =	sadd.s32 s23, s5;
	s25 =	sadd.s32 s24, s7;
	[dreg:$0xd] =	wrdreg s12  }
0x18: {  	s14 =	sadd.s32 $0x8, s14;
	s26 =	sadd.s32 s24, s9;
	[dreg:$0x7] =	wrdreg s25  }
0x19: {  	s23 =	simm.s32 $0x40;
	s15 =	sadd.s32 s7, s14;
	[dreg:$0x8] =	wrdreg s26  }
0x1a: {  	s12 =	sadd.s32 s9, s14;
	s7 =	sadd.s32 s22, s7;
	[dreg:$0xe] =	wrdreg s15  }
0x1b: {  	s29 =	sadd.s32 s22, s9;
	[dreg:$0xf] =	wrdreg s12;
	s28 =	sadd.s32 $0x10, s7  }
0x1c: {  	s19 =	sadd.s32 $0x800, s0;
	s31 =	sadd.s32 $0x10, s29;
	[dreg:$0x4] =	wrdreg s28  }
0x1d: {  	s20 =	sadd.s32 $0x400, s0;
	s22 =	simm.s32 $0x100;
	[dreg:$0x5] =	wrdreg s31  }
.LBB2_1:
0x1e: {  	s0 =	rddreg [dreg:$0x9]  }
0x1f: {  	s31 =	sshrl.u32 s0, $0x3  }
0x20: {  	[spmem:s31], [sflag:s8] =	dma.local [hbm:s6], $0x2700  }
0x21: {  	_ =	swait.ge [sflag:s21], $0x2700  }
0x22: {  	[sflag:s21] =	ssyncset.done $0x0;
	s0 =	rddreg [dreg:$0xa]  }
0x23: {  	s5 =	simm.s32 @!p0 $0x9;
	[sflag:s21] =	ssyncadd.s32 $0xFFFFD900;
	s0 =	sshrl.u32 @!p0 s0, $0x3  }
0x24: {  	[spmem:s0], [sflag:s8] =	dma.local @!p0 [hbm:s6], $0x100  }
0x25: {  	_ =	swait.ge @!p0 [sflag:s5], $0x100  }
0x26: {  	[sflag:s5] =	ssyncset.done @!p0 $0x0  }
0x27: {  	s7 =	rddreg [dreg:$0xb];
	[sflag:s5] =	ssyncadd.s32 @!p0 $0xFFFFFF00  }
0x28: {  	[tilespmem:s3], [sflag:$0x9] =	stream.linear.gather [hbm4b:s7+s3], $0x40, $0x38;
	[tilespmem:$0x1FA80] =	vst v63  }
0x29: {  	_ =	swait.ge [sflag:s21], $0x40  }
0x2a: {  	[sflag:s21] =	ssyncset.done $0x0  }
0x2b: {  	s9 =	rddreg [dreg:$0xc];
	[sflag:s21] =	ssyncadd.s32 $0xFFFFFFC0  }
0x2c: {  	[tilespmem:s22], [sflag:$0x9] =	stream.linear.gather [hbm4b:s9+s3], $0x40, $0x38;
	[tilespmem:$0x1FA80] =	vst v63  }
0x2d: {  	_ =	swait.ge [sflag:s21], $0x40  }
0x2e: {  	[sflag:s21] =	ssyncset.done $0x0  }
0x2f: {  	s11 =	simm.s32 $0x200;
	[sflag:s21] =	ssyncadd.s32 $0xFFFFFFC0  }
0x30: {  	[tilespmem:s11], [sflag:$0x1] =	stream.indirect.gather [hbm4b:s1+s23], $0x80, s3, s23, $0xb8;
	[tilespmem:$0x1FA80] =	vst v63  }
0x31: {  	s12 =	simm.s32 $0x4200  }
0x32: {  	[tilespmem:s12], [sflag:$0x3] =	stream.indirect.gather [hbm4b:s4+s23], $0x80, s22, s23, $0xb8;
	[tilespmem:$0x1FA80] =	vst v63  }
0x33: {  	s7 =	simm.s32 $0x8200;
	s13 =	rddreg [dreg:$0xd]  }
0x34: {  	[tilespmem:s7], [sflag:$0x5] =	stream.linear.gather [hbm4b:s13+s3], $0x2000, $0x38;
	[tilespmem:$0x1FA80] =	vst v63  }
0x35: {  	s15 =	simm.s32 $0x80;
	p1 =	sle.u32 s10, $0x0;
	s14 =	rddreg [dreg:$0xe]  }
0x36: {  	[tilespmem:s15], [sflag:$0x8] =	stream.linear.gather [hbm4b:s14+s3], $0x40, $0x38;
	[tilespmem:$0x1FA80] =	vst v63  }
0x37: {  	s25 =	simm.s32 $0x180;
	s5 =	simm.s32 @!p1 $0x1;
	s24 =	rddreg [dreg:$0xf]  }
0x38: {  	[tilespmem:s25], [sflag:$0x8] =	stream.linear.gather [hbm4b:s24+s3], $0x40, $0x38;
	[tilespmem:$0x1FA80] =	vst v63  }
0x39: {  	_ =	swait.ge @!p1 [sflag:s5], $0x2000  }
0x3a: {  	[sflag:s5] =	ssyncset.done @!p1 $0x0  }
0x3b: {  	s7 =	simm.s32 @!p1 $0x3;
	[sflag:s5] =	ssyncadd.s32 @!p1 $0xFFFFE000  }
0x3c: {  	_ =	swait.ge @!p1 [sflag:s7], $0x2000  }
0x3d: {  	[sflag:s7] =	ssyncset.done @!p1 $0x0  }
0x3e: {  	s5 =	simm.s32 @!p1 $0x5;
	[sflag:s7] =	ssyncadd.s32 @!p1 $0xFFFFE000  }
0x3f: {  	p2 =	sle.u32 @!p1 s10, $0x1;
	_ =	swait.ge @!p1 [sflag:s5], $0x2000  }
0x40: {  	p2 =	por p2, p1;
	[sflag:s5] =	ssyncset.done @!p1 $0x0  }
0x41: {  	s7 =	simm.s32 @!p2 $0x8;
	[sflag:s5] =	ssyncadd.s32 @!p1 $0xFFFFE000  }
0x42: {  	_ =	swait.ge @!p2 [sflag:s7], $0x40  }
0x43: {  	[sflag:s7] =	ssyncset.done @!p2 $0x0  }
0x44: {  	[sflag:s7] =	ssyncadd.s32 @!p2 $0xFFFFFFC0  }
0x45: {  	_ =	swait.ge @!p2 [sflag:s7], $0x40  }
0x46: {  	s9 =	simm.s32 @!p2 $0x40;
	[sflag:s7] =	ssyncset.done @!p2 $0x0  }
0x47: {  	s11 =	simm.s32 @!p2 $0x2200;
	s5 =	simm.s32 @!p2 $0x80;
	[sflag:s7] =	ssyncadd.s32 @!p2 $0xFFFFFFC0  }
0x48: {  	[tilespmem:s11], [sflag:$0x2] =	stream.indirect.gather @!p2 [hbm4b:s1+s9], $0x80, s5, s9, $0xb8;
	[tilespmem:$0x1FA80] =	vst v63  }
0x49: {  	s7 =	simm.s32 @!p2 $0x6200;
	s5 =	simm.s32 @!p2 $0x180  }
0x4a: {  	[tilespmem:s7], [sflag:$0x4] =	stream.indirect.gather @!p2 [hbm4b:s4+s9], $0x80, s5, s9, $0xb8;
	[tilespmem:$0x1FA80] =	vst v63  }
0x4b: {  	s11 =	simm.s32 @!p1 $0x200;
	s5 =	simm.s32 @!p2 $0x0;
	s7 =	simm.s32 @!p2 $0xA200  }
0x4c: {  	[tilespmem:s7], [sflag:$0x6] =	stream.linear.gather @!p2 [hbm4b:s20+s5], $0x2000, $0x38;
	[tilespmem:$0x1FA80] =	vst v63  }
0x4d: {  	s9 =	simm.s32 @!p1 $0x9;
	s5 =	simm.s32 @!p1 $0x40;
	s7 =	simm.s32 @!p1 $0x100  }
0x4e: {  	[spmem:s2] =	stream.indirect.scatter.add.f32 @!p1 [tilespmem:s11], [sflag:$0x9], $0x80, s7, s5, $0xb8;
	[tilespmem:$0x1FA80] =	vst v63  }
0x4f: {  	_ =	swait.ge @!p1 [sflag:s9], $0x2000  }
0x50: {  	s5 =	rddreg [dreg:$0x4]  }
0x51: {  	p2 =	sle.u32 @!p1 s10, $0x2;
	s7 =	rddreg [dreg:$0x5];
	[sflag:s9] =	ssyncset.done @!p1 $0x0  }
0x52: {  	p2 =	por p2, p1;
	s26 =	rddreg [dreg:$0x6];
	[sflag:s9] =	ssyncadd.s32 @!p1 $0xFFFFE000  }
0x53: {  	s9 =	simm.s32 @!p2 $0x0;
	s5 =	sadd.s32 @!p2 $0x0, s5;
	p1 =	sle.u32 s26, $0x0  }
0x54: {  	[tilespmem:s9], [sflag:$0x7] =	stream.linear.gather @!p2 [hbm4b:s5+s9], $0x40, $0x38;
	[tilespmem:$0x1FA80] =	vst v63  }
0x55: {  	s5 =	sadd.s32 @!p2 $0x0, s7;
	s7 =	simm.s32 @!p2 $0x100;
	s11 =	simm.s32 @!p1 $0x2  }
0x56: {  	[tilespmem:s7], [sflag:$0x7] =	stream.linear.gather @!p2 [hbm4b:s5+s9], $0x40, $0x38;
	[tilespmem:$0x1FA80] =	vst v63  }
0x57: {  	_ =	swait.ge @!p1 [sflag:s11], $0x2000  }
0x58: {  	[sflag:s11] =	ssyncset.done @!p1 $0x0  }
0x59: {  	s5 =	simm.s32 @!p1 $0x4;
	[sflag:s11] =	ssyncadd.s32 @!p1 $0xFFFFE000  }
0x5a: {  	_ =	swait.ge @!p1 [sflag:s5], $0x2000  }
0x5b: {  	[sflag:s5] =	ssyncset.done @!p1 $0x0  }
0x5c: {  	s7 =	simm.s32 @!p1 $0x6;
	[sflag:s5] =	ssyncadd.s32 @!p1 $0xFFFFE000  }
0x5d: {  	p2 =	sle.u32 @!p1 s10, $0x2;
	_ =	swait.ge @!p1 [sflag:s7], $0x2000  }
0x5e: {  	p2 =	por p2, p1;
	[sflag:s7] =	ssyncset.done @!p1 $0x0  }
0x5f: {  	s5 =	simm.s32 @!p2 $0x7;
	[sflag:s7] =	ssyncadd.s32 @!p1 $0xFFFFE000  }
0x60: {  	_ =	swait.ge @!p2 [sflag:s5], $0x40  }
0x61: {  	[sflag:s5] =	ssyncset.done @!p2 $0x0  }
0x62: {  	[sflag:s5] =	ssyncadd.s32 @!p2 $0xFFFFFFC0  }
0x63: {  	s28 =	simm.s32 $0x7;
	s29 =	simm.s32 $0x0;
	_ =	swait.ge @!p2 [sflag:s5], $0x40  }
0x64: {  	s24 =	simm.s32 $0x10;
	s9 =	simm.s32 @!p2 $0x40;
	[sflag:s5] =	ssyncset.done @!p2 $0x0  }
0x65: {  	s11 =	simm.s32 @!p2 $0x0;
	s7 =	simm.s32 @!p2 $0x200;
	[sflag:s5] =	ssyncadd.s32 @!p2 $0xFFFFFFC0  }
0x66: {  	[tilespmem:s7], [sflag:$0x1] =	stream.indirect.gather @!p2 [hbm4b:s1+s9], $0x80, s11, s9, $0xb8;
	[tilespmem:$0x1FA80] =	vst v63  }
0x67: {  	s25 =	sadd.s32 $0x800, s19;
	s12 =	simm.s32 @!p2 $0x4200;
	s7 =	simm.s32 @!p2 $0x100  }
0x68: {  	[tilespmem:s12], [sflag:$0x3] =	stream.indirect.gather @!p2 [hbm4b:s4+s9], $0x80, s7, s9, $0xb8;
	[tilespmem:$0x1FA80] =	vst v63  }
0x69: {  	s26 =	sadd.s32 $0x800, s20;
	s7 =	simm.s32 @!p2 $0x8200;
	s9 =	simm.s32 @!p1 $0x9  }
0x6a: {  	[tilespmem:s7], [sflag:$0x5] =	stream.linear.gather @!p2 [hbm4b:s19+s11], $0x2000, $0x38;
	[tilespmem:$0x1FA80] =	vst v63  }
0x6b: {  	s12 =	simm.s32 @!p1 $0x2200;
	s7 =	simm.s32 @!p1 $0x40;
	s11 =	simm.s32 @!p1 $0x180  }
0x6c: {  	[spmem:s2] =	stream.indirect.scatter.add.f32 @!p1 [tilespmem:s12], [sflag:$0x9], $0x80, s11, s7, $0xb8;
	[tilespmem:$0x1FA80] =	vst v63  }
0x6d: {  	s5 =	simm.s32 $0x5;
	p2 =	sle.u32 @!p1 s10, $0x3;
	_ =	swait.ge @!p1 [sflag:s9], $0x2000  }
0x6e: {  	p3 =	por p2, p1;
	[sflag:s9] =	ssyncset.done @!p1 $0x0;
	s12 =	rddreg [dreg:$0x7]  }
0x6f: {  	s7 =	simm.s32 $0x2;
	s11 =	rddreg [dreg:$0x8];
	[sflag:s9] =	ssyncadd.s32 @!p1 $0xFFFFE000  }
.LBB2_2:
0x70: {  	p2 =	sge.u32 s7, s10  }
0x71: {  	s13 =	simm.s32 @!p3 $0x0;
	s12 =	sadd.s32 @!p3 s29, s12;
	s14 =	simm.s32 @!p3 $0x80  }
0x72: {  	[tilespmem:s14], [sflag:$0x8] =	stream.linear.gather @!p3 [hbm4b:s12+s13], $0x40, $0x38;
	[tilespmem:$0x1FA80] =	vst v63  }
0x73: {  	s15 =	simm.s32 @!p3 $0x180;
	s11 =	sadd.s32 @!p3 s29, s11;
	s12 =	simm.s32 @!p2 $0x1  }
0x74: {  	[tilespmem:s15], [sflag:$0x8] =	stream.linear.gather @!p3 [hbm4b:s11+s13], $0x40, $0x38;
	[tilespmem:$0x1FA80] =	vst v63  }
0x75: {  	_ =	swait.ge @!p2 [sflag:s12], $0x2000  }
0x76: {  	[sflag:s12] =	ssyncset.done @!p2 $0x0  }
0x77: {  	s13 =	simm.s32 @!p2 $0x3;
	[sflag:s12] =	ssyncadd.s32 @!p2 $0xFFFFE000  }
0x78: {  	s9 =	smov.u32 s5;
	_ =	swait.ge @!p2 [sflag:s13], $0x2000  }
0x79: {  	s11 =	sadd.s32 @!p2 $0xFFFFFFFE, s9;
	[sflag:s13] =	ssyncset.done @!p2 $0x0  }
0x7a: {  	p4 =	sge.u32 @!p2 s11, s10;
	s11 =	simm.s32 @!p2 $0x5;
	[sflag:s13] =	ssyncadd.s32 @!p2 $0xFFFFE000  }
0x7b: {  	_ =	swait.ge @!p2 [sflag:s11], $0x2000  }
0x7c: {  	p4 =	por p4, p2;
	[sflag:s11] =	ssyncset.done @!p2 $0x0  }
0x7d: {  	s12 =	simm.s32 @!p4 $0x8;
	[sflag:s11] =	ssyncadd.s32 @!p2 $0xFFFFE000  }
0x7e: {  	_ =	swait.ge @!p4 [sflag:s12], $0x40  }
0x7f: {  	[sflag:s12] =	ssyncset.done @!p4 $0x0  }
0x80: {  	[sflag:s12] =	ssyncadd.s32 @!p4 $0xFFFFFFC0  }
0x81: {  	s14 =	sadd.s32 @!p2 $0xFFFFFFFF, s9;
	_ =	swait.ge @!p4 [sflag:s12], $0x40  }
0x82: {  	p3 =	sge.u32 @!p2 s14, s10;
	s14 =	simm.s32 @!p4 $0x2200;
	[sflag:s12] =	ssyncset.done @!p4 $0x0  }
0x83: {  	s13 =	simm.s32 @!p4 $0x40;
	s11 =	simm.s32 @!p4 $0x80;
	[sflag:s12] =	ssyncadd.s32 @!p4 $0xFFFFFFC0  }
0x84: {  	[tilespmem:s14], [sflag:$0x2] =	stream.indirect.gather @!p4 [hbm4b:s1+s13], $0x80, s11, s13, $0xb8;
	[tilespmem:$0x1FA80] =	vst v63  }
0x85: {  	s12 =	simm.s32 @!p4 $0x6200;
	s11 =	simm.s32 @!p4 $0x180  }
0x86: {  	[tilespmem:s12], [sflag:$0x4] =	stream.indirect.gather @!p4 [hbm4b:s4+s13], $0x80, s11, s13, $0xb8;
	[tilespmem:$0x1FA80] =	vst v63  }
0x87: {  	s14 =	simm.s32 @!p2 $0x200;
	s11 =	simm.s32 @!p4 $0x0;
	s12 =	simm.s32 @!p4 $0xA200  }
0x88: {  	[tilespmem:s12], [sflag:$0x6] =	stream.linear.gather @!p4 [hbm4b:s26+s11], $0x2000, $0x38;
	[tilespmem:$0x1FA80] =	vst v63  }
0x89: {  	s13 =	simm.s32 @!p2 $0x9;
	s11 =	simm.s32 @!p2 $0x40;
	s12 =	simm.s32 @!p2 $0x100  }
0x8a: {  	[spmem:s2] =	stream.indirect.scatter.add.f32 @!p2 [tilespmem:s14], [sflag:$0x9], $0x80, s12, s11, $0xb8;
	[tilespmem:$0x1FA80] =	vst v63  }
0x8b: {  	_ =	swait.ge @!p2 [sflag:s13], $0x2000  }
0x8c: {  	s11 =	rddreg [dreg:$0x4]  }
0x8d: {  	[sflag:s13] =	ssyncset.done @!p2 $0x0;
	s12 =	rddreg [dreg:$0x5]  }
0x8e: {  	p3 =	por p3, p2;
	s15 =	rddreg [dreg:$0x6];
	[sflag:s13] =	ssyncadd.s32 @!p2 $0xFFFFE000  }
0x8f: {  	s13 =	simm.s32 @!p3 $0x0;
	s11 =	sadd.s32 @!p3 s24, s11;
	p2 =	sge.u32 s7, s15  }
0x90: {  	[tilespmem:s13], [sflag:$0x7] =	stream.linear.gather @!p3 [hbm4b:s11+s13], $0x40, $0x38;
	[tilespmem:$0x1FA80] =	vst v63  }
0x91: {  	s7 =	simm.s32 @!p3 $0x100;
	s11 =	sadd.s32 @!p3 s24, s12;
	s12 =	simm.s32 @!p2 $0x2  }
0x92: {  	[tilespmem:s7], [sflag:$0x7] =	stream.linear.gather @!p3 [hbm4b:s11+s13], $0x40, $0x38;
	[tilespmem:$0x1FA80] =	vst v63  }
0x93: {  	_ =	swait.ge @!p2 [sflag:s12], $0x2000  }
0x94: {  	[sflag:s12] =	ssyncset.done @!p2 $0x0  }
0x95: {  	s7 =	simm.s32 @!p2 $0x4;
	[sflag:s12] =	ssyncadd.s32 @!p2 $0xFFFFE000  }
0x96: {  	_ =	swait.ge @!p2 [sflag:s7], $0x2000  }
0x97: {  	[sflag:s7] =	ssyncset.done @!p2 $0x0  }
0x98: {  	s14 =	sadd.s32 @!p2 $0xFFFFFFFF, s9;
	s11 =	simm.s32 @!p2 $0x6;
	[sflag:s7] =	ssyncadd.s32 @!p2 $0xFFFFE000  }
0x99: {  	p3 =	sge.u32 @!p2 s14, s10;
	_ =	swait.ge @!p2 [sflag:s11], $0x2000  }
0x9a: {  	p3 =	por p3, p2;
	[sflag:s11] =	ssyncset.done @!p2 $0x0  }
0x9b: {  	s7 =	simm.s32 @!p3 $0x7;
	[sflag:s11] =	ssyncadd.s32 @!p2 $0xFFFFE000  }
0x9c: {  	_ =	swait.ge @!p3 [sflag:s7], $0x40  }
0x9d: {  	[sflag:s7] =	ssyncset.done @!p3 $0x0  }
0x9e: {  	s5 =	smov.u32 s28;
	s28 =	sadd.s32 $0x2, s28;
	[sflag:s7] =	ssyncadd.s32 @!p3 $0xFFFFFFC0  }
0x9f: {  	s29 =	smov.u32 s24;
	p1 =	sne.s32 s28, $0xA1;
	_ =	swait.ge @!p3 [sflag:s7], $0x40  }
0xa0: {  	s26 =	sadd.s32 $0x800, s26;
	s12 =	simm.s32 @!p3 $0x0;
	[sflag:s7] =	ssyncset.done @!p3 $0x0  }
0xa1: {  	s11 =	simm.s32 @!p3 $0x200;
	[sflag:s7] =	ssyncadd.s32 @!p3 $0xFFFFFFC0;
	s7 =	simm.s32 @!p3 $0x40  }
0xa2: {  	[tilespmem:s11], [sflag:$0x1] =	stream.indirect.gather @!p3 [hbm4b:s1+s7], $0x80, s12, s7, $0xb8;
	[tilespmem:$0x1FA80] =	vst v63  }
0xa3: {  	s24 =	sadd.s32 $0x10, s24;
	s13 =	simm.s32 @!p3 $0x4200;
	s11 =	simm.s32 @!p3 $0x100  }
0xa4: {  	[tilespmem:s13], [sflag:$0x3] =	stream.indirect.gather @!p3 [hbm4b:s4+s7], $0x80, s11, s7, $0xb8;
	[tilespmem:$0x1FA80] =	vst v63  }
0xa5: {  	s7 =	simm.s32 @!p3 $0x8200;
	s11 =	simm.s32 @!p2 $0x9;
	s13 =	simm.s32 @!p2 $0x2200  }
0xa6: {  	[tilespmem:s7], [sflag:$0x5] =	stream.linear.gather @!p3 [hbm4b:s25+s12], $0x2000, $0x38;
	[tilespmem:$0x1FA80] =	vst v63  }
.Ltmp0:
0xa7: {  	s7 =	simm.s32 @!p2 $0x40;
	s12 =	simm.s32 @!p2 $0x180;
	(pc) =	sbr.rel @p1 .LBB2_2-.Ltmp0, $4  }
0xa8: {  	[spmem:s2] =	stream.indirect.scatter.add.f32 @!p2 [tilespmem:s13], [sflag:$0x9], $0x80, s12, s7, $0xb8;
	[tilespmem:$0x1FA80] =	vst v63  }
0xa9: {  	p3 =	sge.u32 @!p2 s9, s10;
	s25 =	sadd.s32 $0x800, s25;
	_ =	swait.ge @!p2 [sflag:s11], $0x2000  }
0xaa: {  	p3 =	por p3, p2;
	[sflag:s11] =	ssyncset.done @!p2 $0x0;
	s12 =	rddreg [dreg:$0x7]  }
0xab: {  	s7 =	sadd.s32 $0xFFFFFFFD, s5;
	[sflag:s11] =	ssyncadd.s32 @!p2 $0xFFFFE000;
	s11 =	rddreg [dreg:$0x8]  }
0xac: {  	p1 =	sge.u32 s7, s10  }
0xad: {  	s9 =	simm.s32 @!p3 $0x0;
	s12 =	sadd.s32 @!p3 s29, s12;
	s13 =	simm.s32 @!p3 $0x80  }
0xae: {  	[tilespmem:s13], [sflag:$0x8] =	stream.linear.gather @!p3 [hbm4b:s12+s9], $0x40, $0x38;
	[tilespmem:$0x1FA80] =	vst v63  }
0xaf: {  	s11 =	sadd.s32 @!p3 s29, s11;
	s12 =	simm.s32 @!p3 $0x180;
	s13 =	simm.s32 @!p1 $0x1  }
0xb0: {  	[tilespmem:s12], [sflag:$0x8] =	stream.linear.gather @!p3 [hbm4b:s11+s9], $0x40, $0x38;
	[tilespmem:$0x1FA80] =	vst v63  }
0xb1: {  	_ =	swait.ge @!p1 [sflag:s13], $0x2000  }
0xb2: {  	[sflag:s13] =	ssyncset.done @!p1 $0x0  }
0xb3: {  	s9 =	simm.s32 @!p1 $0x3;
	[sflag:s13] =	ssyncadd.s32 @!p1 $0xFFFFE000  }
0xb4: {  	_ =	swait.ge @!p1 [sflag:s9], $0x2000  }
0xb5: {  	[sflag:s9] =	ssyncset.done @!p1 $0x0  }
0xb6: {  	s11 =	sadd.s32 @!p1 $0xFFFFFFFE, s5;
	s12 =	simm.s32 @!p1 $0x5;
	[sflag:s9] =	ssyncadd.s32 @!p1 $0xFFFFE000  }
0xb7: {  	p2 =	sge.u32 @!p1 s11, s10;
	_ =	swait.ge @!p1 [sflag:s12], $0x2000  }
0xb8: {  	p2 =	por p2, p1;
	[sflag:s12] =	ssyncset.done @!p1 $0x0  }
0xb9: {  	s9 =	simm.s32 @!p2 $0x8;
	[sflag:s12] =	ssyncadd.s32 @!p1 $0xFFFFE000  }
0xba: {  	_ =	swait.ge @!p2 [sflag:s9], $0x40  }
0xbb: {  	[sflag:s9] =	ssyncset.done @!p2 $0x0  }
0xbc: {  	[sflag:s9] =	ssyncadd.s32 @!p2 $0xFFFFFFC0  }
0xbd: {  	_ =	swait.ge @!p2 [sflag:s9], $0x40  }
0xbe: {  	s11 =	simm.s32 @!p2 $0x80;
	[sflag:s9] =	ssyncset.done @!p2 $0x0  }
0xbf: {  	s13 =	simm.s32 @!p2 $0x2200;
	s12 =	simm.s32 @!p2 $0x40;
	[sflag:s9] =	ssyncadd.s32 @!p2 $0xFFFFFFC0  }
0xc0: {  	[tilespmem:s13], [sflag:$0x2] =	stream.indirect.gather @!p2 [hbm4b:s1+s12], $0x80, s11, s12, $0xb8;
	[tilespmem:$0x1FA80] =	vst v63  }
0xc1: {  	s9 =	simm.s32 @!p2 $0x180;
	s11 =	simm.s32 @!p2 $0x6200  }
0xc2: {  	[tilespmem:s11], [sflag:$0x4] =	stream.indirect.gather @!p2 [hbm4b:s4+s12], $0x80, s9, s12, $0xb8;
	[tilespmem:$0x1FA80] =	vst v63  }
0xc3: {  	s13 =	simm.s32 @!p1 $0x200;
	s9 =	simm.s32 @!p2 $0x0;
	s11 =	simm.s32 @!p2 $0xA200  }
0xc4: {  	[tilespmem:s11], [sflag:$0x6] =	stream.linear.gather @!p2 [hbm4b:s26+s9], $0x2000, $0x38;
	[tilespmem:$0x1FA80] =	vst v63  }
0xc5: {  	s12 =	simm.s32 @!p1 $0x9;
	s9 =	simm.s32 @!p1 $0x40;
	s11 =	simm.s32 @!p1 $0x100  }
0xc6: {  	[spmem:s2] =	stream.indirect.scatter.add.f32 @!p1 [tilespmem:s13], [sflag:$0x9], $0x80, s11, s9, $0xb8;
	[tilespmem:$0x1FA80] =	vst v63  }
0xc7: {  	_ =	swait.ge @!p1 [sflag:s12], $0x2000  }
0xc8: {  	s9 =	sadd.s32 @!p1 $0xFFFFFFFF, s5;
	s11 =	rddreg [dreg:$0x4]  }
0xc9: {  	p2 =	sge.u32 @!p1 s9, s10;
	s9 =	rddreg [dreg:$0x5];
	[sflag:s12] =	ssyncset.done @!p1 $0x0  }
0xca: {  	p2 =	por p2, p1;
	s29 =	rddreg [dreg:$0x6];
	[sflag:s12] =	ssyncadd.s32 @!p1 $0xFFFFE000  }
0xcb: {  	s12 =	simm.s32 @!p2 $0x0;
	s11 =	sadd.s32 @!p2 s24, s11;
	p1 =	sge.u32 s7, s29  }
0xcc: {  	[tilespmem:s12], [sflag:$0x7] =	stream.linear.gather @!p2 [hbm4b:s11+s12], $0x40, $0x38;
	[tilespmem:$0x1FA80] =	vst v63  }
0xcd: {  	s7 =	sadd.s32 @!p2 s24, s9;
	s9 =	simm.s32 @!p2 $0x100;
	s11 =	simm.s32 @!p1 $0x2  }
0xce: {  	[tilespmem:s9], [sflag:$0x7] =	stream.linear.gather @!p2 [hbm4b:s7+s12], $0x40, $0x38;
	[tilespmem:$0x1FA80] =	vst v63  }
0xcf: {  	_ =	swait.ge @!p1 [sflag:s11], $0x2000  }
0xd0: {  	[sflag:s11] =	ssyncset.done @!p1 $0x0  }
0xd1: {  	s7 =	simm.s32 @!p1 $0x4;
	[sflag:s11] =	ssyncadd.s32 @!p1 $0xFFFFE000  }
0xd2: {  	_ =	swait.ge @!p1 [sflag:s7], $0x2000  }
0xd3: {  	[sflag:s7] =	ssyncset.done @!p1 $0x0  }
0xd4: {  	s9 =	sadd.s32 @!p1 $0xFFFFFFFF, s5;
	s11 =	simm.s32 @!p1 $0x6;
	[sflag:s7] =	ssyncadd.s32 @!p1 $0xFFFFE000  }
0xd5: {  	p2 =	sge.u32 @!p1 s9, s10;
	_ =	swait.ge @!p1 [sflag:s11], $0x2000  }
0xd6: {  	p2 =	por p2, p1;
	[sflag:s11] =	ssyncset.done @!p1 $0x0  }
0xd7: {  	s7 =	simm.s32 @!p2 $0x7;
	[sflag:s11] =	ssyncadd.s32 @!p1 $0xFFFFE000  }
0xd8: {  	_ =	swait.ge @!p2 [sflag:s7], $0x40  }
0xd9: {  	[sflag:s7] =	ssyncset.done @!p2 $0x0  }
0xda: {  	[sflag:s7] =	ssyncadd.s32 @!p2 $0xFFFFFFC0  }
0xdb: {  	_ =	swait.ge @!p2 [sflag:s7], $0x40  }
0xdc: {  	s9 =	simm.s32 @!p2 $0x200;
	[sflag:s7] =	ssyncset.done @!p2 $0x0  }
0xdd: {  	s11 =	simm.s32 @!p2 $0x0;
	[sflag:s7] =	ssyncadd.s32 @!p2 $0xFFFFFFC0;
	s7 =	simm.s32 @!p2 $0x40  }
0xde: {  	[tilespmem:s9], [sflag:$0x1] =	stream.indirect.gather @!p2 [hbm4b:s1+s7], $0x80, s11, s7, $0xb8;
	[tilespmem:$0x1FA80] =	vst v63  }
0xdf: {  	s12 =	simm.s32 @!p2 $0x4200;
	s9 =	simm.s32 @!p2 $0x100  }
0xe0: {  	[tilespmem:s12], [sflag:$0x3] =	stream.indirect.gather @!p2 [hbm4b:s4+s7], $0x80, s9, s7, $0xb8;
	[tilespmem:$0x1FA80] =	vst v63  }
0xe1: {  	s7 =	simm.s32 @!p2 $0x8200;
	s9 =	simm.s32 @!p1 $0x9  }
0xe2: {  	[tilespmem:s7], [sflag:$0x5] =	stream.linear.gather @!p2 [hbm4b:s25+s11], $0x2000, $0x38;
	[tilespmem:$0x1FA80] =	vst v63  }
0xe3: {  	s12 =	simm.s32 @!p1 $0x2200;
	s7 =	simm.s32 @!p1 $0x40;
	s11 =	simm.s32 @!p1 $0x180  }
0xe4: {  	[spmem:s2] =	stream.indirect.scatter.add.f32 @!p1 [tilespmem:s12], [sflag:$0x9], $0x80, s11, s7, $0xb8;
	[tilespmem:$0x1FA80] =	vst v63  }
0xe5: {  	_ =	swait.ge @!p1 [sflag:s9], $0x2000  }
0xe6: {  	p2 =	sge.u32 @!p1 s5, s10;
	s7 =	rddreg [dreg:$0x7];
	[sflag:s9] =	ssyncset.done @!p1 $0x0  }
0xe7: {  	s5 =	rddreg [dreg:$0x8];
	[sflag:s9] =	ssyncadd.s32 @!p1 $0xFFFFE000;
	p1 =	por p2, p1  }
0xe8: {  	s9 =	simm.s32 @!p1 $0x0;
	s7 =	sadd.s32 @!p1 s24, s7;
	s11 =	simm.s32 @!p1 $0x80  }
0xe9: {  	[tilespmem:s11], [sflag:$0x8] =	stream.linear.gather @!p1 [hbm4b:s7+s9], $0x40, $0x38;
	[tilespmem:$0x1FA80] =	vst v63  }
0xea: {  	s5 =	sadd.s32 @!p1 s24, s5;
	s7 =	simm.s32 @!p1 $0x180  }
0xeb: {  	[tilespmem:s7], [sflag:$0x8] =	stream.linear.gather @!p1 [hbm4b:s5+s9], $0x40, $0x38;
	[tilespmem:$0x1FA80] =	vst v63  }
0xec: {  	[bflag:$0x0] =	sbarrier.arrive $0xFFFF  }
0xed: {  	[hbm:s16], [sflag:s8] =	dma.local [spmem:s31], $0x2700  }
0xee: {  	_ =	swait.ge [sflag:s21], $0x2700  }
0xef: {  	s30 =	sadd.s32 $0x1, s30;
	[sflag:s21] =	ssyncset.done $0x0  }
0xf0: {  	p1 =	sne.s32 s30, s18;
	[sflag:s21] =	ssyncadd.s32 $0xFFFFD900  }
0xf1: {  	[hbm:s17], [sflag:s8] =	dma.local @!p0 [spmem:s0], $0x100  }
.Ltmp1:
0xf2: {  	_ = 	snop;
	(pc) =	sbr.rel @p1 .LBB2_1-.Ltmp1, $4  }
0xf3: {  	s0 =	simm.s32 @!p0 $0x9  }
0xf4: {  	_ =	swait.ge @!p0 [sflag:s0], $0x100  }
0xf5: {  	[sflag:s0] =	ssyncset.done @!p0 $0x0  }
0xf6: {  	[sflag:s0] =	ssyncadd.s32 @!p0 $0xFFFFFF00  }
0xf7: {  	_ =	sfence.sel $0x180000  }
0xf8: {  	[bflag:$0x0] =	sbarrier.arrive $0xFFFF  }
0xf9: {  	_ =	strace $0x90000047  }
0xfa: {  	s0 =	stileid.u32;
	[bflag:$0x2] =	sbarrier.arrive $0xFFFF  }
0xfb: {  	p0 =	sne.s32 s0, $0x0;
	s0 =	rddreg [dreg:$0x3]  }
0xfc: {  	s0 =	sadd.s32 @!p0 $0x100000, s0  }
0xfd: {  	[sflag:s0] =	ssyncadd.tile.s32 @!p0 $0x1;
	_ =	shalt  }
.Lfunc_end2:
_tile_overlayer_lowered:
.L_overlay_start_2:
0xfe: {  	(tag) =	ssettag $0x2  }
0xff: {  	s0 =	rddreg [dreg:$0x0];
	s2 =	stileid.u32  }
0x100: {  	s1 =	rddreg [dreg:$0x1];
	p0 =	sne.s32 s2, $0x0  }
0x101: {  	s3 =	rddreg [dreg:$0x2];
	[bflag:$0x3] =	sbarrier.arrive $0xFFFF;
	s2 =	simm.s32 @!p0 $0x1C09  }
0x102: {  	[timem:s3], [sflag:s2] =	dma.local @!p0 [hbm:s0], s1  }
0x103: {  	s0 =	simm.s32 @!p0 $0x9  }
0x104: {  	_ =	swait.ge @!p0 [sflag:s0], s1  }
0x105: {  	s1 =	ssub.s32 @!p0 $0x0, s1;
	[sflag:s0] =	ssyncset.done @!p0 $0x0  }
0x106: {  	[sflag:s0] =	ssyncadd.s32 @!p0 s1  }
0x107: {  	[bflag:$0x3] =	sbarrier.arrive $0xFFFF  }
0x108: {  	_ =	shalt  }

</sc_bundles>
